<compile_context>
chip_gen: v7x
topology: tpu7x:2x2x1
jax: 0.10.2.dev20260603
libtpu: 0.0.44.dev20260713+nightly
codegen_flags: <defaults>
</compile_context>

<pallas_src>
import functools

import jax
import jax.numpy as jnp
from jax import lax
from jax.experimental import pallas as pl
from jax.experimental.pallas import tpu as pltpu
from jax.experimental.pallas import tpu_sc as plsc

_B = 4096
_L = 20
_D = 16
_C = 3 * _D
_ITEM_NUM = 1000000
_ATTR_NUM = 100000
_BL = _B * _L
_NW = 32

_CH = 2048
_I_COLS = (_ITEM_NUM // _CH) * _CH
_A_COLS = (_ATTR_NUM // _CH) * _CH
_I_NCH = _I_COLS // _CH
_A_NCH = _A_COLS // _CH
_NCH = _I_NCH + _A_NCH
_DR = _CH // 8
_I_TAIL = (_ITEM_NUM - _I_COLS) // 8
_A_TAIL = -(-((_ATTR_NUM - _A_COLS) // 8) // 8) * 8

_B_W = _B // _NW
_PASS_B = 32
_NPASS = _B_W // _PASS_B
_RP = _PASS_B * _L
_GROUPS = _RP // 16


@functools.partial(
    pl.kernel,
    mesh=plsc.VectorSubcoreMesh(core_axis_name="c", subcore_axis_name="s"),
    out_type=(jax.ShapeDtypeStruct((_ITEM_NUM // 8, 128), jnp.float32),
              jax.ShapeDtypeStruct((_A_COLS // 8 + _A_TAIL, 128),
                                   jnp.float32)),
    compiler_params=pltpu.CompilerParams(needs_layout_passes=False),
    scratch_types=[
        pltpu.VMEM((16, _CH), jnp.float32),
        pltpu.VMEM((_DR, 128), jnp.float32),
        pltpu.SemaphoreType.DMA,
    ],
)
def _transpose_tabs(t2i_hbm, t2a_hbm, taili_hbm, taila_hbm,
                    di_hbm, da_hbm, blk, dv, sem):
    wid = lax.axis_index("s") * 2 + lax.axis_index("c")

    def retile(src_hbm, dst_hbm, ch_local):
        c0 = pl.multiple_of(ch_local * _CH, _CH)
        pltpu.sync_copy(src_hbm.at[:, pl.ds(c0, _CH)], blk)
        iota = lax.iota(jnp.int32, 16)
        rhalf = iota >> 3
        cbase = (iota & 7) << 4

        def seg_body(m, _):
            r16 = rhalf + m * 2
            for d in range(16):
                seg = blk[d, pl.ds(m * 16, 16)]
                plsc.store_scatter(dv, [r16, cbase + d], seg)
            return 0

        lax.fori_loop(0, _CH // 16, seg_body, 0)
        pltpu.sync_copy(
            dv, dst_hbm.at[pl.ds(pl.multiple_of(c0 // 8, _DR), _DR)])

    def chunk_body(k, _):
        q = k * _NW + wid

        @pl.when(q < _I_NCH)
        def _():
            retile(t2i_hbm, di_hbm, q)

        @pl.when((q >= _I_NCH) & (q < _NCH))
        def _():
            retile(t2a_hbm, da_hbm, q - _I_NCH)

        return 0

    lax.fori_loop(0, (_NCH + _NW - 1) // _NW, chunk_body, 0)

    @pl.when(wid == 0)
    def _():
        pltpu.sync_copy(taili_hbm, dv.at[pl.ds(0, _I_TAIL)])
        pltpu.sync_copy(dv.at[pl.ds(0, _I_TAIL)],
                        di_hbm.at[pl.ds(_I_COLS // 8, _I_TAIL)])

    @pl.when(wid == 1)
    def _():
        pltpu.sync_copy(taila_hbm, dv.at[pl.ds(0, _A_TAIL)])
        pltpu.sync_copy(dv.at[pl.ds(0, _A_TAIL)],
                        da_hbm.at[pl.ds(_A_COLS // 8, _A_TAIL)])


@functools.partial(
    pl.kernel,
    mesh=plsc.VectorSubcoreMesh(core_axis_name="c", subcore_axis_name="s"),
    out_type=jax.ShapeDtypeStruct((_L * _C, _B), jnp.float32),
    compiler_params=pltpu.CompilerParams(
        use_tc_tiling_on_sc=False, needs_layout_passes=False),
    scratch_types=[
        pltpu.VMEM((5, _RP), jnp.int32),
        pltpu.VMEM((_RP,), jnp.int32),
        pltpu.VMEM((_RP, 8 * _D), jnp.float32),
        pltpu.VMEM((_L * _C, _PASS_B), jnp.float32),
        pltpu.SemaphoreType.DMA,
    ],
)
def _gather_concat(idx5_hbm, item_t, attr_t, out_hbm,
                   idx5_v, tt_v, tiles_v, out_v, sem):
    wid = lax.axis_index("s") * 2 + lax.axis_index("c")

    def pass_body(p, _):
        b0 = wid * _B_W + p * _PASS_B
        i0 = b0 * _L
        pltpu.sync_copy(idx5_hbm.at[:, pl.ds(i0, _RP)], idx5_v)

        for st, (table, c0) in enumerate(((item_t, 0),
                                          (attr_t, _D),
                                          (attr_t, 2 * _D))):
            def tile_ids(g, _):
                tt_v[pl.ds(g * 16, 16)] = idx5_v[st, pl.ds(g * 16, 16)] >> 3
                return 0

            lax.fori_loop(0, _GROUPS, tile_ids, 0)
            pltpu.async_copy(table.at[tt_v], tiles_v, sem).wait()

            def group_body(g, _):
                j16 = lax.iota(jnp.int32, 16) + g * 16
                cb16 = (idx5_v[st, pl.ds(g * 16, 16)] & 7) << 4
                lr16 = idx5_v[3, pl.ds(g * 16, 16)] + c0
                bc16 = idx5_v[4, pl.ds(g * 16, 16)] - b0
                for d in range(_D):
                    v = plsc.load_gather(tiles_v, [j16, cb16 + d])
                    plsc.store_scatter(out_v, [lr16 + d, bc16], v)
                return 0

            lax.fori_loop(0, _GROUPS, group_body, 0)

        pltpu.sync_copy(out_v, out_hbm.at[:, pl.ds(b0, _PASS_B)])
        return 0

    lax.fori_loop(0, _NPASS, pass_body, 0)


def kernel(hist_iid_seq, hist_aid_seq, hist_rate_seq, hist_seq_len,
           iid_list, aid_list, lb_list,
           item_table, attr_table, rating_table):
    tail_i = item_table[_I_COLS:_ITEM_NUM].reshape(_I_TAIL, 128)
    n_a = (_ATTR_NUM - _A_COLS) // 8
    tail_a = jnp.pad(
        attr_table[_A_COLS:_ATTR_NUM].reshape(n_a, 128),
        ((0, _A_TAIL - n_a), (0, 0)))
    item2, attr2 = _transpose_tabs(
        item_table.T, attr_table.T, tail_i, tail_a)
    iid = iid_list.reshape(_BL).astype(jnp.int32)
    a0 = aid_list[:, :, 0].reshape(_BL).astype(jnp.int32)
    a1 = aid_list[:, :, 1].reshape(_BL).astype(jnp.int32)
    ar = jnp.arange(_BL, dtype=jnp.int32)
    lrow = (ar % _L) * _C
    bcol = ar // _L
    idx5 = jnp.stack([iid, a0, a1, lrow, bcol])
    out4 = _gather_concat(idx5, item2, attr2)
    out = out4.reshape(_L, _C, _B).transpose(2, 0, 1)
    return out, lb_list.reshape(_B, _L)

# --- scband reference (transcript-rebuilt; emitter-appended) ---
"""Pipeline reference for scband-rerank-base-model-68418829025740 (READ-ONLY COPY).

The authoritative reference and input builder live on the scoring server;
editing this copy changes nothing except your own understanding.
"""

import jax, jax.numpy as jnp
import numpy as np

B = 4096
H = 50      # max_hist_len
L = 20      # max_list_len
A = 2       # attr_fnum
D = 16      # embed_dim
ITEM_NUM = 1000000
ATTR_NUM = 100000
RATING_NUM = 5
ITM_EMB_DIM = (1 + A) * D  # 48


def setup_inputs(seed: int = 0) -> dict:
    key = jax.random.key(seed)
    ks = jax.random.split(key, 10)
    inp = {
        "hist_iid_seq": jax.random.randint(ks[0], (B, H), 0, ITEM_NUM, dtype=jnp.int32).astype(jnp.int64),
        "hist_aid_seq": jax.random.randint(ks[1], (B, H, A), 0, ATTR_NUM, dtype=jnp.int32).astype(jnp.int64),
        "hist_rate_seq": jax.random.randint(ks[2], (B, H), 0, RATING_NUM, dtype=jnp.int32).astype(jnp.int64),
        "hist_seq_len": jax.random.randint(ks[3], (B,), 0, H, dtype=jnp.int32).astype(jnp.int64),
        "iid_list": jax.random.randint(ks[4], (B, L), 0, ITEM_NUM, dtype=jnp.int32).astype(jnp.int64),
        "aid_list": jax.random.randint(ks[5], (B, L, A), 0, ATTR_NUM, dtype=jnp.int32).astype(jnp.int64),
        "lb_list": jax.random.randint(ks[6], (B, L), 0, 2, dtype=jnp.int32).astype(jnp.int64),
        # learned parameters (nn.Embedding weights, num_embeddings = num + 1)
        "item_table": jax.random.normal(ks[7], (ITEM_NUM + 1, D), dtype=jnp.float32),
        "attr_table": jax.random.normal(ks[8], (ATTR_NUM + 1, D), dtype=jnp.float32),
        "rating_table": jax.random.normal(ks[9], (RATING_NUM + 1, D), dtype=jnp.float32),
    }
    return inp


def reference(hist_iid_seq, hist_aid_seq, hist_rate_seq, hist_seq_len,
              iid_list, aid_list, lb_list,
              item_table, attr_table, rating_table):
    # process_input (augment_num == 0, task == 'rerank')
    hist_item_emb = jnp.take(item_table, hist_iid_seq, axis=0).reshape(-1, H, D)
    hist_attr_emb = jnp.take(attr_table, hist_aid_seq, axis=0).reshape(-1, H, D * A)
    hist_rating_emb = jnp.take(rating_table, hist_rate_seq, axis=0).reshape(-1, H, D)
    hist_emb = jnp.concatenate([hist_item_emb, hist_attr_emb, hist_rating_emb], axis=-1)
    _ = hist_emb  # computed in process_input, unused by process_rerank_inp output (no augment)

    iid_emb = jnp.take(item_table, iid_list, axis=0)  # [B, L, D]
    attr_emb = jnp.take(attr_table, aid_list, axis=0).reshape(-1, L, D * A)
    item_emb = jnp.concatenate([iid_emb, attr_emb], axis=-1).reshape(-1, L, ITM_EMB_DIM)
    labels = lb_list.reshape(-1, L)

    # process_rerank_inp: augment_num == 0 -> out = item_embedding
    out = item_emb
    return (out, labels)

if __name__ == "__main__":
    import jax
    _d = setup_inputs()
    print(jax.jit(kernel)(*tuple(_d.values())))

</pallas_src>

<mosaic_0001>
#map = affine_map<(d0, d1) -> (0, 0)>
module attributes {stable_mosaic.version = 14 : i64} {
  func.func @_transpose_tabs(%arg0: i32, %arg1: i32, %arg2: memref<16x1000001xf32, #tpu.memory_space<hbm>>, %arg3: memref<16x100001xf32, #tpu.memory_space<hbm>>, %arg4: memref<72x128xf32, #tpu.memory_space<hbm>>, %arg5: memref<216x128xf32, #tpu.memory_space<hbm>>, %arg6: memref<125000x128xf32, #tpu.memory_space<hbm>>, %arg7: memref<12504x128xf32, #tpu.memory_space<hbm>>, %arg8: memref<16x2048xf32, #tpu.memory_space<vmem>>, %arg9: memref<256x128xf32, #tpu.memory_space<vmem>>, %arg10: memref<!tpu.dma_semaphore, #tpu.memory_space<semaphore_mem>>) attributes {dimension_semantics = [#tpu.dimension_semantics<core_parallel>, #tpu.dimension_semantics<subcore_parallel>], iteration_bounds = array<i64: 2, 16>, scalar_prefetch = 0 : i64, scratch_operands = 3 : i64, tpu.core_type = #tpu.core_type<sc_vector_subcore>, window_params = [{transform_indices = #map}, {transform_indices = #map}, {transform_indices = #map}, {transform_indices = #map}, {transform_indices = #map}, {transform_indices = #map}]} {
    %mul3A = arith.constant 2 : i32
    %mul3A_0 = arith.muli %arg1, %mul3A : i32
    %add3A = arith.addi %mul3A_0, %arg0 : i32
    %scan3A = arith.constant 0 : i32
    %scan3A_1 = arith.constant 0 : i32
    %scan3A_2 = arith.constant 17 : i32
    %scan3A_3 = arith.addi %scan3A_1, %scan3A_2 : i32
    %scan3A_4 = arith.constant 1 : i32
    %scan3A_5 = scf.for %scan3A_14 = %scan3A_1 to %scan3A_3 step %scan3A_4 iter_args(%scan3A_15 = %scan3A) -> (i32)  : i32 {
      %mul3A_16 = arith.constant 32 : i32
      %mul3A_17 = arith.muli %scan3A_14, %mul3A_16 : i32
      %add3A_18 = arith.addi %mul3A_17, %add3A : i32
      %lt3A = arith.constant 488 : i32
      %lt3A_19 = arith.cmpi slt, %add3A_18, %lt3A : i32
      %convert_element_type3A_20 = arith.extui %lt3A_19 : i1 to i32
      %cond3A_21 = arith.constant 0 : i32
      %cond3A_22 = arith.cmpi ne, %convert_element_type3A_20, %cond3A_21 : i32
      scf.if %cond3A_22 {
        %mul3A_30 = arith.constant 2048 : i32
        %mul3A_31 = arith.muli %add3A_18, %mul3A_30 : i32
        %multiple_of3A = tpu.assume_multiple %mul3A_31, 2048 : i32
        "tpu.region"() ({
          %run_scoped3A = tpu.sem_alloc : memref<!tpu.dma_semaphore, #tpu.memory_space<semaphore_mem>>
          %dma_start3A = arith.constant 0 : i32
          %dma_start3A_64 = tpu.memref_slice %arg2[%dma_start3A, %multiple_of3A] : memref<16x1000001xf32, #tpu.memory_space<hbm>> -> memref<16x2048xf32, #tpu.memory_space<hbm>>
          %dma_start3A_65 = arith.constant 0 : i32
          %dma_start3A_66 = tpu.memref_slice %arg2[%dma_start3A_65, %multiple_of3A] : memref<16x1000001xf32, #tpu.memory_space<hbm>> -> memref<16x2048xf32, #tpu.memory_space<hbm>>
          tpu.enqueue_dma source(%dma_start3A_66 : memref<16x2048xf32, #tpu.memory_space<hbm>>) target(%arg8 : memref<16x2048xf32, #tpu.memory_space<vmem>>) target_semaphore(%run_scoped3A : memref<!tpu.dma_semaphore, #tpu.memory_space<semaphore_mem>>)
          %dma_wait3A = arith.constant 0 : i32
          %dma_wait3A_67 = tpu.memref_slice %arg2[%dma_wait3A, %multiple_of3A] : memref<16x1000001xf32, #tpu.memory_space<hbm>> -> memref<16x2048xf32, #tpu.memory_space<hbm>>
          %dma_wait3A_68 = arith.constant 0 : i32
          %dma_wait3A_69 = tpu.memref_slice %arg2[%dma_wait3A_68, %multiple_of3A] : memref<16x1000001xf32, #tpu.memory_space<hbm>> -> memref<16x2048xf32, #tpu.memory_space<hbm>>
          tpu.wait_dma2 semaphore(%run_scoped3A : memref<!tpu.dma_semaphore, #tpu.memory_space<semaphore_mem>>) src(%dma_wait3A_69 : memref<16x2048xf32, #tpu.memory_space<hbm>>) dst(%arg8 : memref<16x2048xf32, #tpu.memory_space<vmem>>)
          tpu.yield
        }) : () -> ()
        %iota3A = tpu.iota {dimensions = array<i32: 0>} : vector<16xi32>
        %shift_right_arithmetic3A = arith.constant 3 : i32
        %shift_right_arithmetic3A_32 = vector.broadcast %shift_right_arithmetic3A : i32 to vector<16xi32>
        %shift_right_arithmetic3A_33 = arith.shrsi %iota3A, %shift_right_arithmetic3A_32 : vector<16xi32>
        %and3A_34 = arith.constant 7 : i32
        %and3A_35 = vector.broadcast %and3A_34 : i32 to vector<16xi32>
        %and3A_36 = arith.andi %iota3A, %and3A_35 : vector<16xi32>
        %shift_left3A = arith.constant 4 : i32
        %shift_left3A_37 = vector.broadcast %shift_left3A : i32 to vector<16xi32>
        %shift_left3A_38 = arith.shli %and3A_36, %shift_left3A_37 : vector<16xi32>
        %scan3A_39 = arith.constant 0 : i32
        %scan3A_40 = arith.constant 0 : i32
        %scan3A_41 = arith.constant 128 : i32
        %scan3A_42 = arith.addi %scan3A_40, %scan3A_41 : i32
        %scan3A_43 = arith.constant 1 : i32
        %scan3A_44 = scf.for %scan3A_64 = %scan3A_40 to %scan3A_42 step %scan3A_43 iter_args(%scan3A_65 = %scan3A_39) -> (i32)  : i32 {
          %mul3A_66 = arith.constant 2 : i32
          %mul3A_67 = arith.muli %scan3A_64, %mul3A_66 : i32
          %add3A_68 = vector.broadcast %mul3A_67 : i32 to vector<16xi32>
          %add3A_69 = arith.addi %shift_right_arithmetic3A_33, %add3A_68 : vector<16xi32>
          %mul3A_70 = arith.constant 16 : i32
          %mul3A_71 = arith.muli %scan3A_64, %mul3A_70 : i32
          %get3A = arith.constant 0 : i32
          %get3A_72 = arith.index_cast %get3A : i32 to index
          %get3A_73 = arith.index_cast %mul3A_71 : i32 to index
          %get3A_74 = tpu.vector_load %arg8[%get3A_72, %get3A_73] {strides = array<i32>} : memref<16x2048xf32, #tpu.memory_space<vmem>>, vector<16xf32>,
          %add3A_75 = arith.constant 0 : i32
          %add3A_76 = vector.broadcast %add3A_75 : i32 to vector<16xi32>
          %add3A_77 = arith.addi %shift_left3A_38, %add3A_76 : vector<16xi32>
          tpu.vector_store_idx %arg9[%add3A_69, %add3A_77], %get3A_74 : memref<256x128xf32, #tpu.memory_space<vmem>>[vector<16xi32>, vector<16xi32>], vector<16xf32>,
          %mul3A_78 = arith.constant 16 : i32
          %mul3A_79 = arith.muli %scan3A_64, %mul3A_78 : i32
          %get3A_80 = arith.constant 1 : i32
          %get3A_81 = arith.index_cast %get3A_80 : i32 to index
          %get3A_82 = arith.index_cast %mul3A_79 : i32 to index
          %get3A_83 = tpu.vector_load %arg8[%get3A_81, %get3A_82] {strides = array<i32>} : memref<16x2048xf32, #tpu.memory_space<vmem>>, vector<16xf32>,
          %add3A_84 = arith.constant 1 : i32
          %add3A_85 = vector.broadcast %add3A_84 : i32 to vector<16xi32>
          %add3A_86 = arith.addi %shift_left3A_38, %add3A_85 : vector<16xi32>
          tpu.vector_store_idx %arg9[%add3A_69, %add3A_86], %get3A_83 : memref<256x128xf32, #tpu.memory_space<vmem>>[vector<16xi32>, vector<16xi32>], vector<16xf32>,
          %mul3A_87 = arith.constant 16 : i32
          %mul3A_88 = arith.muli %scan3A_64, %mul3A_87 : i32
          %get3A_89 = arith.constant 2 : i32
          %get3A_90 = arith.index_cast %get3A_89 : i32 to index
          %get3A_91 = arith.index_cast %mul3A_88 : i32 to index
          %get3A_92 = tpu.vector_load %arg8[%get3A_90, %get3A_91] {strides = array<i32>} : memref<16x2048xf32, #tpu.memory_space<vmem>>, vector<16xf32>,
          %add3A_93 = arith.constant 2 : i32
          %add3A_94 = vector.broadcast %add3A_93 : i32 to vector<16xi32>
          %add3A_95 = arith.addi %shift_left3A_38, %add3A_94 : vector<16xi32>
          tpu.vector_store_idx %arg9[%add3A_69, %add3A_95], %get3A_92 : memref<256x128xf32, #tpu.memory_space<vmem>>[vector<16xi32>, vector<16xi32>], vector<16xf32>,
          %mul3A_96 = arith.constant 16 : i32
          %mul3A_97 = arith.muli %scan3A_64, %mul3A_96 : i32
          %get3A_98 = arith.constant 3 : i32
          %get3A_99 = arith.index_cast %get3A_98 : i32 to index
          %get3A_100 = arith.index_cast %mul3A_97 : i32 to index
          %get3A_101 = tpu.vector_load %arg8[%get3A_99, %get3A_100] {strides = array<i32>} : memref<16x2048xf32, #tpu.memory_space<vmem>>, vector<16xf32>,
          %add3A_102 = arith.constant 3 : i32
          %add3A_103 = vector.broadcast %add3A_102 : i32 to vector<16xi32>
          %add3A_104 = arith.addi %shift_left3A_38, %add3A_103 : vector<16xi32>
          tpu.vector_store_idx %arg9[%add3A_69, %add3A_104], %get3A_101 : memref<256x128xf32, #tpu.memory_space<vmem>>[vector<16xi32>, vector<16xi32>], vector<16xf32>,
          %mul3A_105 = arith.constant 16 : i32
          %mul3A_106 = arith.muli %scan3A_64, %mul3A_105 : i32
          %get3A_107 = arith.constant 4 : i32
          %get3A_108 = arith.index_cast %get3A_107 : i32 to index
          %get3A_109 = arith.index_cast %mul3A_106 : i32 to index
          %get3A_110 = tpu.vector_load %arg8[%get3A_108, %get3A_109] {strides = array<i32>} : memref<16x2048xf32, #tpu.memory_space<vmem>>, vector<16xf32>,
          %add3A_111 = arith.constant 4 : i32
          %add3A_112 = vector.broadcast %add3A_111 : i32 to vector<16xi32>
          %add3A_113 = arith.addi %shift_left3A_38, %add3A_112 : vector<16xi32>
          tpu.vector_store_idx %arg9[%add3A_69, %add3A_113], %get3A_110 : memref<256x128xf32, #tpu.memory_space<vmem>>[vector<16xi32>, vector<16xi32>], vector<16xf32>,
          %mul3A_114 = arith.constant 16 : i32
          %mul3A_115 = arith.muli %scan3A_64, %mul3A_114 : i32
          %get3A_116 = arith.constant 5 : i32
          %get3A_117 = arith.index_cast %get3A_116 : i32 to index
          %get3A_118 = arith.index_cast %mul3A_115 : i32 to index
          %get3A_119 = tpu.vector_load %arg8[%get3A_117, %get3A_118] {strides = array<i32>} : memref<16x2048xf32, #tpu.memory_space<vmem>>, vector<16xf32>,
          %add3A_120 = arith.constant 5 : i32
          %add3A_121 = vector.broadcast %add3A_120 : i32 to vector<16xi32>
          %add3A_122 = arith.addi %shift_left3A_38, %add3A_121 : vector<16xi32>
          tpu.vector_store_idx %arg9[%add3A_69, %add3A_122], %get3A_119 : memref<256x128xf32, #tpu.memory_space<vmem>>[vector<16xi32>, vector<16xi32>], vector<16xf32>,
          %mul3A_123 = arith.constant 16 : i32
          %mul3A_124 = arith.muli %scan3A_64, %mul3A_123 : i32
          %get3A_125 = arith.constant 6 : i32
          %get3A_126 = arith.index_cast %get3A_125 : i32 to index
          %get3A_127 = arith.index_cast %mul3A_124 : i32 to index
          %get3A_128 = tpu.vector_load %arg8[%get3A_126, %get3A_127] {strides = array<i32>} : memref<16x2048xf32, #tpu.memory_space<vmem>>, vector<16xf32>,
          %add3A_129 = arith.constant 6 : i32
          %add3A_130 = vector.broadcast %add3A_129 : i32 to vector<16xi32>
          %add3A_131 = arith.addi %shift_left3A_38, %add3A_130 : vector<16xi32>
          tpu.vector_store_idx %arg9[%add3A_69, %add3A_131], %get3A_128 : memref<256x128xf32, #tpu.memory_space<vmem>>[vector<16xi32>, vector<16xi32>], vector<16xf32>,
          %mul3A_132 = arith.constant 16 : i32
          %mul3A_133 = arith.muli %scan3A_64, %mul3A_132 : i32
          %get3A_134 = arith.constant 7 : i32
          %get3A_135 = arith.index_cast %get3A_134 : i32 to index
          %get3A_136 = arith.index_cast %mul3A_133 : i32 to index
          %get3A_137 = tpu.vector_load %arg8[%get3A_135, %get3A_136] {strides = array<i32>} : memref<16x2048xf32, #tpu.memory_space<vmem>>, vector<16xf32>,
          %add3A_138 = arith.constant 7 : i32
          %add3A_139 = vector.broadcast %add3A_138 : i32 to vector<16xi32>
          %add3A_140 = arith.addi %shift_left3A_38, %add3A_139 : vector<16xi32>
          tpu.vector_store_idx %arg9[%add3A_69, %add3A_140], %get3A_137 : memref<256x128xf32, #tpu.memory_space<vmem>>[vector<16xi32>, vector<16xi32>], vector<16xf32>,
          %mul3A_141 = arith.constant 16 : i32
          %mul3A_142 = arith.muli %scan3A_64, %mul3A_141 : i32
          %get3A_143 = arith.constant 8 : i32
          %get3A_144 = arith.index_cast %get3A_143 : i32 to index
          %get3A_145 = arith.index_cast %mul3A_142 : i32 to index
          %get3A_146 = tpu.vector_load %arg8[%get3A_144, %get3A_145] {strides = array<i32>} : memref<16x2048xf32, #tpu.memory_space<vmem>>, vector<16xf32>,
          %add3A_147 = arith.constant 8 : i32
          %add3A_148 = vector.broadcast %add3A_147 : i32 to vector<16xi32>
          %add3A_149 = arith.addi %shift_left3A_38, %add3A_148 : vector<16xi32>
          tpu.vector_store_idx %arg9[%add3A_69, %add3A_149], %get3A_146 : memref<256x128xf32, #tpu.memory_space<vmem>>[vector<16xi32>, vector<16xi32>], vector<16xf32>,
          %mul3A_150 = arith.constant 16 : i32
          %mul3A_151 = arith.muli %scan3A_64, %mul3A_150 : i32
          %get3A_152 = arith.constant 9 : i32
          %get3A_153 = arith.index_cast %get3A_152 : i32 to index
          %get3A_154 = arith.index_cast %mul3A_151 : i32 to index
          %get3A_155 = tpu.vector_load %arg8[%get3A_153, %get3A_154] {strides = array<i32>} : memref<16x2048xf32, #tpu.memory_space<vmem>>, vector<16xf32>,
          %add3A_156 = arith.constant 9 : i32
          %add3A_157 = vector.broadcast %add3A_156 : i32 to vector<16xi32>
          %add3A_158 = arith.addi %shift_left3A_38, %add3A_157 : vector<16xi32>
          tpu.vector_store_idx %arg9[%add3A_69, %add3A_158], %get3A_155 : memref<256x128xf32, #tpu.memory_space<vmem>>[vector<16xi32>, vector<16xi32>], vector<16xf32>,
          %mul3A_159 = arith.constant 16 : i32
          %mul3A_160 = arith.muli %scan3A_64, %mul3A_159 : i32
          %get3A_161 = arith.constant 10 : i32
          %get3A_162 = arith.index_cast %get3A_161 : i32 to index
          %get3A_163 = arith.index_cast %mul3A_160 : i32 to index
          %get3A_164 = tpu.vector_load %arg8[%get3A_162, %get3A_163] {strides = array<i32>} : memref<16x2048xf32, #tpu.memory_space<vmem>>, vector<16xf32>,
          %add3A_165 = arith.constant 10 : i32
          %add3A_166 = vector.broadcast %add3A_165 : i32 to vector<16xi32>
          %add3A_167 = arith.addi %shift_left3A_38, %add3A_166 : vector<16xi32>
          tpu.vector_store_idx %arg9[%add3A_69, %add3A_167], %get3A_164 : memref<256x128xf32, #tpu.memory_space<vmem>>[vector<16xi32>, vector<16xi32>], vector<16xf32>,
          %mul3A_168 = arith.constant 16 : i32
          %mul3A_169 = arith.muli %scan3A_64, %mul3A_168 : i32
          %get3A_170 = arith.constant 11 : i32
          %get3A_171 = arith.index_cast %get3A_170 : i32 to index
          %get3A_172 = arith.index_cast %mul3A_169 : i32 to index
          %get3A_173 = tpu.vector_load %arg8[%get3A_171, %get3A_172] {strides = array<i32>} : memref<16x2048xf32, #tpu.memory_space<vmem>>, vector<16xf32>,
          %add3A_174 = arith.constant 11 : i32
          %add3A_175 = vector.broadcast %add3A_174 : i32 to vector<16xi32>
          %add3A_176 = arith.addi %shift_left3A_38, %add3A_175 : vector<16xi32>
          tpu.vector_store_idx %arg9[%add3A_69, %add3A_176], %get3A_173 : memref<256x128xf32, #tpu.memory_space<vmem>>[vector<16xi32>, vector<16xi32>], vector<16xf32>,
          %mul3A_177 = arith.constant 16 : i32
          %mul3A_178 = arith.muli %scan3A_64, %mul3A_177 : i32
          %get3A_179 = arith.constant 12 : i32
          %get3A_180 = arith.index_cast %get3A_179 : i32 to index
          %get3A_181 = arith.index_cast %mul3A_178 : i32 to index
          %get3A_182 = tpu.vector_load %arg8[%get3A_180, %get3A_181] {strides = array<i32>} : memref<16x2048xf32, #tpu.memory_space<vmem>>, vector<16xf32>,
          %add3A_183 = arith.constant 12 : i32
          %add3A_184 = vector.broadcast %add3A_183 : i32 to vector<16xi32>
          %add3A_185 = arith.addi %shift_left3A_38, %add3A_184 : vector<16xi32>
          tpu.vector_store_idx %arg9[%add3A_69, %add3A_185], %get3A_182 : memref<256x128xf32, #tpu.memory_space<vmem>>[vector<16xi32>, vector<16xi32>], vector<16xf32>,
          %mul3A_186 = arith.constant 16 : i32
          %mul3A_187 = arith.muli %scan3A_64, %mul3A_186 : i32
          %get3A_188 = arith.constant 13 : i32
          %get3A_189 = arith.index_cast %get3A_188 : i32 to index
          %get3A_190 = arith.index_cast %mul3A_187 : i32 to index
          %get3A_191 = tpu.vector_load %arg8[%get3A_189, %get3A_190] {strides = array<i32>} : memref<16x2048xf32, #tpu.memory_space<vmem>>, vector<16xf32>,
          %add3A_192 = arith.constant 13 : i32
          %add3A_193 = vector.broadcast %add3A_192 : i32 to vector<16xi32>
          %add3A_194 = arith.addi %shift_left3A_38, %add3A_193 : vector<16xi32>
          tpu.vector_store_idx %arg9[%add3A_69, %add3A_194], %get3A_191 : memref<256x128xf32, #tpu.memory_space<vmem>>[vector<16xi32>, vector<16xi32>], vector<16xf32>,
          %mul3A_195 = arith.constant 16 : i32
          %mul3A_196 = arith.muli %scan3A_64, %mul3A_195 : i32
          %get3A_197 = arith.constant 14 : i32
          %get3A_198 = arith.index_cast %get3A_197 : i32 to index
          %get3A_199 = arith.index_cast %mul3A_196 : i32 to index
          %get3A_200 = tpu.vector_load %arg8[%get3A_198, %get3A_199] {strides = array<i32>} : memref<16x2048xf32, #tpu.memory_space<vmem>>, vector<16xf32>,
          %add3A_201 = arith.constant 14 : i32
          %add3A_202 = vector.broadcast %add3A_201 : i32 to vector<16xi32>
          %add3A_203 = arith.addi %shift_left3A_38, %add3A_202 : vector<16xi32>
          tpu.vector_store_idx %arg9[%add3A_69, %add3A_203], %get3A_200 : memref<256x128xf32, #tpu.memory_space<vmem>>[vector<16xi32>, vector<16xi32>], vector<16xf32>,
          %mul3A_204 = arith.constant 16 : i32
          %mul3A_205 = arith.muli %scan3A_64, %mul3A_204 : i32
          %get3A_206 = arith.constant 15 : i32
          %get3A_207 = arith.index_cast %get3A_206 : i32 to index
          %get3A_208 = arith.index_cast %mul3A_205 : i32 to index
          %get3A_209 = tpu.vector_load %arg8[%get3A_207, %get3A_208] {strides = array<i32>} : memref<16x2048xf32, #tpu.memory_space<vmem>>, vector<16xf32>,
          %add3A_210 = arith.constant 15 : i32
          %add3A_211 = vector.broadcast %add3A_210 : i32 to vector<16xi32>
          %add3A_212 = arith.addi %shift_left3A_38, %add3A_211 : vector<16xi32>
          tpu.vector_store_idx %arg9[%add3A_69, %add3A_212], %get3A_209 : memref<256x128xf32, #tpu.memory_space<vmem>>[vector<16xi32>, vector<16xi32>], vector<16xf32>,
          %scan3A_213 = arith.constant 0 : i32
          scf.yield %scan3A_213 : i32
        }
        %scan3A_45 = arith.constant 128 : i32
        %jit3A = arith.constant 8 : i32
        %div3A = arith.divsi %multiple_of3A, %jit3A : i32
        %sign3A = arith.constant 0 : i32
        %sign3A_46 = arith.cmpi sgt, %multiple_of3A, %sign3A : i32
        %sign3A_47 = arith.extui %sign3A_46 : i1 to i32
        %sign3A_48 = arith.constant 0 : i32
        %sign3A_49 = arith.cmpi slt, %multiple_of3A, %sign3A_48 : i32
        %sign3A_50 = arith.extui %sign3A_49 : i1 to i32
        %sign3A_51 = arith.subi %sign3A_47, %sign3A_50 : i32
        %sign3A_52 = arith.constant 0 : i32
        %sign3A_53 = arith.cmpi sgt, %jit3A, %sign3A_52 : i32
        %sign3A_54 = arith.extui %sign3A_53 : i1 to i32
        %sign3A_55 = arith.constant 0 : i32
        %sign3A_56 = arith.cmpi slt, %jit3A, %sign3A_55 : i32
        %sign3A_57 = arith.extui %sign3A_56 : i1 to i32
        %sign3A_58 = arith.subi %sign3A_54, %sign3A_57 : i32
        %ne3A = arith.cmpi ne, %sign3A_51, %sign3A_58 : i32
        %rem3A = arith.remsi %multiple_of3A, %jit3A : i32
        %ne3A_59 = arith.constant 0 : i32
        %ne3A_60 = arith.cmpi ne, %rem3A, %ne3A_59 : i32
        %and3A_61 = arith.andi %ne3A, %ne3A_60 : i1
        %sub3A = arith.constant 1 : i32
        %sub3A_62 = arith.subi %div3A, %sub3A : i32
        %select_n3A = arith.select %and3A_61, %sub3A_62, %div3A : i32
        %multiple_of3A_63 = tpu.assume_multiple %select_n3A, 256 : i32
        "tpu.region"() ({
          %run_scoped3A = tpu.sem_alloc : memref<!tpu.dma_semaphore, #tpu.memory_space<semaphore_mem>>
          %dma_start3A = arith.constant 0 : i32
          %dma_start3A_64 = tpu.memref_slice %arg6[%multiple_of3A_63, %dma_start3A] : memref<125000x128xf32, #tpu.memory_space<hbm>> -> memref<256x128xf32, #tpu.memory_space<hbm>>
          %dma_start3A_65 = arith.constant 0 : i32
          %dma_start3A_66 = tpu.memref_slice %arg6[%multiple_of3A_63, %dma_start3A_65] : memref<125000x128xf32, #tpu.memory_space<hbm>> -> memref<256x128xf32, #tpu.memory_space<hbm>>
          tpu.enqueue_dma source(%arg9 : memref<256x128xf32, #tpu.memory_space<vmem>>) target(%dma_start3A_66 : memref<256x128xf32, #tpu.memory_space<hbm>>) target_semaphore(%run_scoped3A : memref<!tpu.dma_semaphore, #tpu.memory_space<semaphore_mem>>)
          %dma_wait3A = arith.constant 0 : i32
          %dma_wait3A_67 = tpu.memref_slice %arg6[%multiple_of3A_63, %dma_wait3A] : memref<125000x128xf32, #tpu.memory_space<hbm>> -> memref<256x128xf32, #tpu.memory_space<hbm>>
          %dma_wait3A_68 = arith.constant 0 : i32
          %dma_wait3A_69 = tpu.memref_slice %arg6[%multiple_of3A_63, %dma_wait3A_68] : memref<125000x128xf32, #tpu.memory_space<hbm>> -> memref<256x128xf32, #tpu.memory_space<hbm>>
          tpu.wait_dma2 semaphore(%run_scoped3A : memref<!tpu.dma_semaphore, #tpu.memory_space<semaphore_mem>>) src(%arg9 : memref<256x128xf32, #tpu.memory_space<vmem>>) dst(%dma_wait3A_69 : memref<256x128xf32, #tpu.memory_space<hbm>>)
          tpu.yield
        }) : () -> ()
      } else {
      }
      %ge3A = arith.constant 488 : i32
      %ge3A_23 = arith.cmpi sge, %add3A_18, %ge3A : i32
      %lt3A_24 = arith.constant 536 : i32
      %lt3A_25 = arith.cmpi slt, %add3A_18, %lt3A_24 : i32
      %and3A = arith.andi %ge3A_23, %lt3A_25 : i1
      %convert_element_type3A_26 = arith.extui %and3A : i1 to i32
      %cond3A_27 = arith.constant 0 : i32
      %cond3A_28 = arith.cmpi ne, %convert_element_type3A_26, %cond3A_27 : i32
      scf.if %cond3A_28 {
        %sub3A = arith.constant 488 : i32
        %sub3A_30 = arith.subi %add3A_18, %sub3A : i32
        %mul3A_31 = arith.constant 2048 : i32
        %mul3A_32 = arith.muli %sub3A_30, %mul3A_31 : i32
        %multiple_of3A = tpu.assume_multiple %mul3A_32, 2048 : i32
        "tpu.region"() ({
          %run_scoped3A = tpu.sem_alloc : memref<!tpu.dma_semaphore, #tpu.memory_space<semaphore_mem>>
          %dma_start3A = arith.constant 0 : i32
          %dma_start3A_66 = tpu.memref_slice %arg3[%dma_start3A, %multiple_of3A] : memref<16x100001xf32, #tpu.memory_space<hbm>> -> memref<16x2048xf32, #tpu.memory_space<hbm>>
          %dma_start3A_67 = arith.constant 0 : i32
          %dma_start3A_68 = tpu.memref_slice %arg3[%dma_start3A_67, %multiple_of3A] : memref<16x100001xf32, #tpu.memory_space<hbm>> -> memref<16x2048xf32, #tpu.memory_space<hbm>>
          tpu.enqueue_dma source(%dma_start3A_68 : memref<16x2048xf32, #tpu.memory_space<hbm>>) target(%arg8 : memref<16x2048xf32, #tpu.memory_space<vmem>>) target_semaphore(%run_scoped3A : memref<!tpu.dma_semaphore, #tpu.memory_space<semaphore_mem>>)
          %dma_wait3A = arith.constant 0 : i32
          %dma_wait3A_69 = tpu.memref_slice %arg3[%dma_wait3A, %multiple_of3A] : memref<16x100001xf32, #tpu.memory_space<hbm>> -> memref<16x2048xf32, #tpu.memory_space<hbm>>
          %dma_wait3A_70 = arith.constant 0 : i32
          %dma_wait3A_71 = tpu.memref_slice %arg3[%dma_wait3A_70, %multiple_of3A] : memref<16x100001xf32, #tpu.memory_space<hbm>> -> memref<16x2048xf32, #tpu.memory_space<hbm>>
          tpu.wait_dma2 semaphore(%run_scoped3A : memref<!tpu.dma_semaphore, #tpu.memory_space<semaphore_mem>>) src(%dma_wait3A_71 : memref<16x2048xf32, #tpu.memory_space<hbm>>) dst(%arg8 : memref<16x2048xf32, #tpu.memory_space<vmem>>)
          tpu.yield
        }) : () -> ()
        %iota3A = tpu.iota {dimensions = array<i32: 0>} : vector<16xi32>
        %shift_right_arithmetic3A = arith.constant 3 : i32
        %shift_right_arithmetic3A_33 = vector.broadcast %shift_right_arithmetic3A : i32 to vector<16xi32>
        %shift_right_arithmetic3A_34 = arith.shrsi %iota3A, %shift_right_arithmetic3A_33 : vector<16xi32>
        %and3A_35 = arith.constant 7 : i32
        %and3A_36 = vector.broadcast %and3A_35 : i32 to vector<16xi32>
        %and3A_37 = arith.andi %iota3A, %and3A_36 : vector<16xi32>
        %shift_left3A = arith.constant 4 : i32
        %shift_left3A_38 = vector.broadcast %shift_left3A : i32 to vector<16xi32>
        %shift_left3A_39 = arith.shli %and3A_37, %shift_left3A_38 : vector<16xi32>
        %scan3A_40 = arith.constant 0 : i32
        %scan3A_41 = arith.constant 0 : i32
        %scan3A_42 = arith.constant 128 : i32
        %scan3A_43 = arith.addi %scan3A_41, %scan3A_42 : i32
        %scan3A_44 = arith.constant 1 : i32
        %scan3A_45 = scf.for %scan3A_66 = %scan3A_41 to %scan3A_43 step %scan3A_44 iter_args(%scan3A_67 = %scan3A_40) -> (i32)  : i32 {
          %mul3A_68 = arith.constant 2 : i32
          %mul3A_69 = arith.muli %scan3A_66, %mul3A_68 : i32
          %add3A_70 = vector.broadcast %mul3A_69 : i32 to vector<16xi32>
          %add3A_71 = arith.addi %shift_right_arithmetic3A_34, %add3A_70 : vector<16xi32>
          %mul3A_72 = arith.constant 16 : i32
          %mul3A_73 = arith.muli %scan3A_66, %mul3A_72 : i32
          %get3A = arith.constant 0 : i32
          %get3A_74 = arith.index_cast %get3A : i32 to index
          %get3A_75 = arith.index_cast %mul3A_73 : i32 to index
          %get3A_76 = tpu.vector_load %arg8[%get3A_74, %get3A_75] {strides = array<i32>} : memref<16x2048xf32, #tpu.memory_space<vmem>>, vector<16xf32>,
          %add3A_77 = arith.constant 0 : i32
          %add3A_78 = vector.broadcast %add3A_77 : i32 to vector<16xi32>
          %add3A_79 = arith.addi %shift_left3A_39, %add3A_78 : vector<16xi32>
          tpu.vector_store_idx %arg9[%add3A_71, %add3A_79], %get3A_76 : memref<256x128xf32, #tpu.memory_space<vmem>>[vector<16xi32>, vector<16xi32>], vector<16xf32>,
          %mul3A_80 = arith.constant 16 : i32
          %mul3A_81 = arith.muli %scan3A_66, %mul3A_80 : i32
          %get3A_82 = arith.constant 1 : i32
          %get3A_83 = arith.index_cast %get3A_82 : i32 to index
          %get3A_84 = arith.index_cast %mul3A_81 : i32 to index
          %get3A_85 = tpu.vector_load %arg8[%get3A_83, %get3A_84] {strides = array<i32>} : memref<16x2048xf32, #tpu.memory_space<vmem>>, vector<16xf32>,
          %add3A_86 = arith.constant 1 : i32
          %add3A_87 = vector.broadcast %add3A_86 : i32 to vector<16xi32>
          %add3A_88 = arith.addi %shift_left3A_39, %add3A_87 : vector<16xi32>
          tpu.vector_store_idx %arg9[%add3A_71, %add3A_88], %get3A_85 : memref<256x128xf32, #tpu.memory_space<vmem>>[vector<16xi32>, vector<16xi32>], vector<16xf32>,
          %mul3A_89 = arith.constant 16 : i32
          %mul3A_90 = arith.muli %scan3A_66, %mul3A_89 : i32
          %get3A_91 = arith.constant 2 : i32
          %get3A_92 = arith.index_cast %get3A_91 : i32 to index
          %get3A_93 = arith.index_cast %mul3A_90 : i32 to index
          %get3A_94 = tpu.vector_load %arg8[%get3A_92, %get3A_93] {strides = array<i32>} : memref<16x2048xf32, #tpu.memory_space<vmem>>, vector<16xf32>,
          %add3A_95 = arith.constant 2 : i32
          %add3A_96 = vector.broadcast %add3A_95 : i32 to vector<16xi32>
          %add3A_97 = arith.addi %shift_left3A_39, %add3A_96 : vector<16xi32>
          tpu.vector_store_idx %arg9[%add3A_71, %add3A_97], %get3A_94 : memref<256x128xf32, #tpu.memory_space<vmem>>[vector<16xi32>, vector<16xi32>], vector<16xf32>,
          %mul3A_98 = arith.constant 16 : i32
          %mul3A_99 = arith.muli %scan3A_66, %mul3A_98 : i32
          %get3A_100 = arith.constant 3 : i32
          %get3A_101 = arith.index_cast %get3A_100 : i32 to index
          %get3A_102 = arith.index_cast %mul3A_99 : i32 to index
          %get3A_103 = tpu.vector_load %arg8[%get3A_101, %get3A_102] {strides = array<i32>} : memref<16x2048xf32, #tpu.memory_space<vmem>>, vector<16xf32>,
          %add3A_104 = arith.constant 3 : i32
          %add3A_105 = vector.broadcast %add3A_104 : i32 to vector<16xi32>
          %add3A_106 = arith.addi %shift_left3A_39, %add3A_105 : vector<16xi32>
          tpu.vector_store_idx %arg9[%add3A_71, %add3A_106], %get3A_103 : memref<256x128xf32, #tpu.memory_space<vmem>>[vector<16xi32>, vector<16xi32>], vector<16xf32>,
          %mul3A_107 = arith.constant 16 : i32
          %mul3A_108 = arith.muli %scan3A_66, %mul3A_107 : i32
          %get3A_109 = arith.constant 4 : i32
          %get3A_110 = arith.index_cast %get3A_109 : i32 to index
          %get3A_111 = arith.index_cast %mul3A_108 : i32 to index
          %get3A_112 = tpu.vector_load %arg8[%get3A_110, %get3A_111] {strides = array<i32>} : memref<16x2048xf32, #tpu.memory_space<vmem>>, vector<16xf32>,
          %add3A_113 = arith.constant 4 : i32
          %add3A_114 = vector.broadcast %add3A_113 : i32 to vector<16xi32>
          %add3A_115 = arith.addi %shift_left3A_39, %add3A_114 : vector<16xi32>
          tpu.vector_store_idx %arg9[%add3A_71, %add3A_115], %get3A_112 : memref<256x128xf32, #tpu.memory_space<vmem>>[vector<16xi32>, vector<16xi32>], vector<16xf32>,
          %mul3A_116 = arith.constant 16 : i32
          %mul3A_117 = arith.muli %scan3A_66, %mul3A_116 : i32
          %get3A_118 = arith.constant 5 : i32
          %get3A_119 = arith.index_cast %get3A_118 : i32 to index
          %get3A_120 = arith.index_cast %mul3A_117 : i32 to index
          %get3A_121 = tpu.vector_load %arg8[%get3A_119, %get3A_120] {strides = array<i32>} : memref<16x2048xf32, #tpu.memory_space<vmem>>, vector<16xf32>,
          %add3A_122 = arith.constant 5 : i32
          %add3A_123 = vector.broadcast %add3A_122 : i32 to vector<16xi32>
          %add3A_124 = arith.addi %shift_left3A_39, %add3A_123 : vector<16xi32>
          tpu.vector_store_idx %arg9[%add3A_71, %add3A_124], %get3A_121 : memref<256x128xf32, #tpu.memory_space<vmem>>[vector<16xi32>, vector<16xi32>], vector<16xf32>,
          %mul3A_125 = arith.constant 16 : i32
          %mul3A_126 = arith.muli %scan3A_66, %mul3A_125 : i32
          %get3A_127 = arith.constant 6 : i32
          %get3A_128 = arith.index_cast %get3A_127 : i32 to index
          %get3A_129 = arith.index_cast %mul3A_126 : i32 to index
          %get3A_130 = tpu.vector_load %arg8[%get3A_128, %get3A_129] {strides = array<i32>} : memref<16x2048xf32, #tpu.memory_space<vmem>>, vector<16xf32>,
          %add3A_131 = arith.constant 6 : i32
          %add3A_132 = vector.broadcast %add3A_131 : i32 to vector<16xi32>
          %add3A_133 = arith.addi %shift_left3A_39, %add3A_132 : vector<16xi32>
          tpu.vector_store_idx %arg9[%add3A_71, %add3A_133], %get3A_130 : memref<256x128xf32, #tpu.memory_space<vmem>>[vector<16xi32>, vector<16xi32>], vector<16xf32>,
          %mul3A_134 = arith.constant 16 : i32
          %mul3A_135 = arith.muli %scan3A_66, %mul3A_134 : i32
          %get3A_136 = arith.constant 7 : i32
          %get3A_137 = arith.index_cast %get3A_136 : i32 to index
          %get3A_138 = arith.index_cast %mul3A_135 : i32 to index
          %get3A_139 = tpu.vector_load %arg8[%get3A_137, %get3A_138] {strides = array<i32>} : memref<16x2048xf32, #tpu.memory_space<vmem>>, vector<16xf32>,
          %add3A_140 = arith.constant 7 : i32
          %add3A_141 = vector.broadcast %add3A_140 : i32 to vector<16xi32>
          %add3A_142 = arith.addi %shift_left3A_39, %add3A_141 : vector<16xi32>
          tpu.vector_store_idx %arg9[%add3A_71, %add3A_142], %get3A_139 : memref<256x128xf32, #tpu.memory_space<vmem>>[vector<16xi32>, vector<16xi32>], vector<16xf32>,
          %mul3A_143 = arith.constant 16 : i32
          %mul3A_144 = arith.muli %scan3A_66, %mul3A_143 : i32
          %get3A_145 = arith.constant 8 : i32
          %get3A_146 = arith.index_cast %get3A_145 : i32 to index
          %get3A_147 = arith.index_cast %mul3A_144 : i32 to index
          %get3A_148 = tpu.vector_load %arg8[%get3A_146, %get3A_147] {strides = array<i32>} : memref<16x2048xf32, #tpu.memory_space<vmem>>, vector<16xf32>,
          %add3A_149 = arith.constant 8 : i32
          %add3A_150 = vector.broadcast %add3A_149 : i32 to vector<16xi32>
          %add3A_151 = arith.addi %shift_left3A_39, %add3A_150 : vector<16xi32>
          tpu.vector_store_idx %arg9[%add3A_71, %add3A_151], %get3A_148 : memref<256x128xf32, #tpu.memory_space<vmem>>[vector<16xi32>, vector<16xi32>], vector<16xf32>,
          %mul3A_152 = arith.constant 16 : i32
          %mul3A_153 = arith.muli %scan3A_66, %mul3A_152 : i32
          %get3A_154 = arith.constant 9 : i32
          %get3A_155 = arith.index_cast %get3A_154 : i32 to index
          %get3A_156 = arith.index_cast %mul3A_153 : i32 to index
          %get3A_157 = tpu.vector_load %arg8[%get3A_155, %get3A_156] {strides = array<i32>} : memref<16x2048xf32, #tpu.memory_space<vmem>>, vector<16xf32>,
          %add3A_158 = arith.constant 9 : i32
          %add3A_159 = vector.broadcast %add3A_158 : i32 to vector<16xi32>
          %add3A_160 = arith.addi %shift_left3A_39, %add3A_159 : vector<16xi32>
          tpu.vector_store_idx %arg9[%add3A_71, %add3A_160], %get3A_157 : memref<256x128xf32, #tpu.memory_space<vmem>>[vector<16xi32>, vector<16xi32>], vector<16xf32>,
          %mul3A_161 = arith.constant 16 : i32
          %mul3A_162 = arith.muli %scan3A_66, %mul3A_161 : i32
          %get3A_163 = arith.constant 10 : i32
          %get3A_164 = arith.index_cast %get3A_163 : i32 to index
          %get3A_165 = arith.index_cast %mul3A_162 : i32 to index
          %get3A_166 = tpu.vector_load %arg8[%get3A_164, %get3A_165] {strides = array<i32>} : memref<16x2048xf32, #tpu.memory_space<vmem>>, vector<16xf32>,
          %add3A_167 = arith.constant 10 : i32
          %add3A_168 = vector.broadcast %add3A_167 : i32 to vector<16xi32>
          %add3A_169 = arith.addi %shift_left3A_39, %add3A_168 : vector<16xi32>
          tpu.vector_store_idx %arg9[%add3A_71, %add3A_169], %get3A_166 : memref<256x128xf32, #tpu.memory_space<vmem>>[vector<16xi32>, vector<16xi32>], vector<16xf32>,
          %mul3A_170 = arith.constant 16 : i32
          %mul3A_171 = arith.muli %scan3A_66, %mul3A_170 : i32
          %get3A_172 = arith.constant 11 : i32
          %get3A_173 = arith.index_cast %get3A_172 : i32 to index
          %get3A_174 = arith.index_cast %mul3A_171 : i32 to index
          %get3A_175 = tpu.vector_load %arg8[%get3A_173, %get3A_174] {strides = array<i32>} : memref<16x2048xf32, #tpu.memory_space<vmem>>, vector<16xf32>,
          %add3A_176 = arith.constant 11 : i32
          %add3A_177 = vector.broadcast %add3A_176 : i32 to vector<16xi32>
          %add3A_178 = arith.addi %shift_left3A_39, %add3A_177 : vector<16xi32>
          tpu.vector_store_idx %arg9[%add3A_71, %add3A_178], %get3A_175 : memref<256x128xf32, #tpu.memory_space<vmem>>[vector<16xi32>, vector<16xi32>], vector<16xf32>,
          %mul3A_179 = arith.constant 16 : i32
          %mul3A_180 = arith.muli %scan3A_66, %mul3A_179 : i32
          %get3A_181 = arith.constant 12 : i32
          %get3A_182 = arith.index_cast %get3A_181 : i32 to index
          %get3A_183 = arith.index_cast %mul3A_180 : i32 to index
          %get3A_184 = tpu.vector_load %arg8[%get3A_182, %get3A_183] {strides = array<i32>} : memref<16x2048xf32, #tpu.memory_space<vmem>>, vector<16xf32>,
          %add3A_185 = arith.constant 12 : i32
          %add3A_186 = vector.broadcast %add3A_185 : i32 to vector<16xi32>
          %add3A_187 = arith.addi %shift_left3A_39, %add3A_186 : vector<16xi32>
          tpu.vector_store_idx %arg9[%add3A_71, %add3A_187], %get3A_184 : memref<256x128xf32, #tpu.memory_space<vmem>>[vector<16xi32>, vector<16xi32>], vector<16xf32>,
          %mul3A_188 = arith.constant 16 : i32
          %mul3A_189 = arith.muli %scan3A_66, %mul3A_188 : i32
          %get3A_190 = arith.constant 13 : i32
          %get3A_191 = arith.index_cast %get3A_190 : i32 to index
          %get3A_192 = arith.index_cast %mul3A_189 : i32 to index
          %get3A_193 = tpu.vector_load %arg8[%get3A_191, %get3A_192] {strides = array<i32>} : memref<16x2048xf32, #tpu.memory_space<vmem>>, vector<16xf32>,
          %add3A_194 = arith.constant 13 : i32
          %add3A_195 = vector.broadcast %add3A_194 : i32 to vector<16xi32>
          %add3A_196 = arith.addi %shift_left3A_39, %add3A_195 : vector<16xi32>
          tpu.vector_store_idx %arg9[%add3A_71, %add3A_196], %get3A_193 : memref<256x128xf32, #tpu.memory_space<vmem>>[vector<16xi32>, vector<16xi32>], vector<16xf32>,
          %mul3A_197 = arith.constant 16 : i32
          %mul3A_198 = arith.muli %scan3A_66, %mul3A_197 : i32
          %get3A_199 = arith.constant 14 : i32
          %get3A_200 = arith.index_cast %get3A_199 : i32 to index
          %get3A_201 = arith.index_cast %mul3A_198 : i32 to index
          %get3A_202 = tpu.vector_load %arg8[%get3A_200, %get3A_201] {strides = array<i32>} : memref<16x2048xf32, #tpu.memory_space<vmem>>, vector<16xf32>,
          %add3A_203 = arith.constant 14 : i32
          %add3A_204 = vector.broadcast %add3A_203 : i32 to vector<16xi32>
          %add3A_205 = arith.addi %shift_left3A_39, %add3A_204 : vector<16xi32>
          tpu.vector_store_idx %arg9[%add3A_71, %add3A_205], %get3A_202 : memref<256x128xf32, #tpu.memory_space<vmem>>[vector<16xi32>, vector<16xi32>], vector<16xf32>,
          %mul3A_206 = arith.constant 16 : i32
          %mul3A_207 = arith.muli %scan3A_66, %mul3A_206 : i32
          %get3A_208 = arith.constant 15 : i32
          %get3A_209 = arith.index_cast %get3A_208 : i32 to index
          %get3A_210 = arith.index_cast %mul3A_207 : i32 to index
          %get3A_211 = tpu.vector_load %arg8[%get3A_209, %get3A_210] {strides = array<i32>} : memref<16x2048xf32, #tpu.memory_space<vmem>>, vector<16xf32>,
          %add3A_212 = arith.constant 15 : i32
          %add3A_213 = vector.broadcast %add3A_212 : i32 to vector<16xi32>
          %add3A_214 = arith.addi %shift_left3A_39, %add3A_213 : vector<16xi32>
          tpu.vector_store_idx %arg9[%add3A_71, %add3A_214], %get3A_211 : memref<256x128xf32, #tpu.memory_space<vmem>>[vector<16xi32>, vector<16xi32>], vector<16xf32>,
          %scan3A_215 = arith.constant 0 : i32
          scf.yield %scan3A_215 : i32
        }
        %scan3A_46 = arith.constant 128 : i32
        %jit3A = arith.constant 8 : i32
        %div3A = arith.divsi %multiple_of3A, %jit3A : i32
        %sign3A = arith.constant 0 : i32
        %sign3A_47 = arith.cmpi sgt, %multiple_of3A, %sign3A : i32
        %sign3A_48 = arith.extui %sign3A_47 : i1 to i32
        %sign3A_49 = arith.constant 0 : i32
        %sign3A_50 = arith.cmpi slt, %multiple_of3A, %sign3A_49 : i32
        %sign3A_51 = arith.extui %sign3A_50 : i1 to i32
        %sign3A_52 = arith.subi %sign3A_48, %sign3A_51 : i32
        %sign3A_53 = arith.constant 0 : i32
        %sign3A_54 = arith.cmpi sgt, %jit3A, %sign3A_53 : i32
        %sign3A_55 = arith.extui %sign3A_54 : i1 to i32
        %sign3A_56 = arith.constant 0 : i32
        %sign3A_57 = arith.cmpi slt, %jit3A, %sign3A_56 : i32
        %sign3A_58 = arith.extui %sign3A_57 : i1 to i32
        %sign3A_59 = arith.subi %sign3A_55, %sign3A_58 : i32
        %ne3A = arith.cmpi ne, %sign3A_52, %sign3A_59 : i32
        %rem3A = arith.remsi %multiple_of3A, %jit3A : i32
        %ne3A_60 = arith.constant 0 : i32
        %ne3A_61 = arith.cmpi ne, %rem3A, %ne3A_60 : i32
        %and3A_62 = arith.andi %ne3A, %ne3A_61 : i1
        %sub3A_63 = arith.constant 1 : i32
        %sub3A_64 = arith.subi %div3A, %sub3A_63 : i32
        %select_n3A = arith.select %and3A_62, %sub3A_64, %div3A : i32
        %multiple_of3A_65 = tpu.assume_multiple %select_n3A, 256 : i32
        "tpu.region"() ({
          %run_scoped3A = tpu.sem_alloc : memref<!tpu.dma_semaphore, #tpu.memory_space<semaphore_mem>>
          %dma_start3A = arith.constant 0 : i32
          %dma_start3A_66 = tpu.memref_slice %arg7[%multiple_of3A_65, %dma_start3A] : memref<12504x128xf32, #tpu.memory_space<hbm>> -> memref<256x128xf32, #tpu.memory_space<hbm>>
          %dma_start3A_67 = arith.constant 0 : i32
          %dma_start3A_68 = tpu.memref_slice %arg7[%multiple_of3A_65, %dma_start3A_67] : memref<12504x128xf32, #tpu.memory_space<hbm>> -> memref<256x128xf32, #tpu.memory_space<hbm>>
          tpu.enqueue_dma source(%arg9 : memref<256x128xf32, #tpu.memory_space<vmem>>) target(%dma_start3A_68 : memref<256x128xf32, #tpu.memory_space<hbm>>) target_semaphore(%run_scoped3A : memref<!tpu.dma_semaphore, #tpu.memory_space<semaphore_mem>>)
          %dma_wait3A = arith.constant 0 : i32
          %dma_wait3A_69 = tpu.memref_slice %arg7[%multiple_of3A_65, %dma_wait3A] : memref<12504x128xf32, #tpu.memory_space<hbm>> -> memref<256x128xf32, #tpu.memory_space<hbm>>
          %dma_wait3A_70 = arith.constant 0 : i32
          %dma_wait3A_71 = tpu.memref_slice %arg7[%multiple_of3A_65, %dma_wait3A_70] : memref<12504x128xf32, #tpu.memory_space<hbm>> -> memref<256x128xf32, #tpu.memory_space<hbm>>
          tpu.wait_dma2 semaphore(%run_scoped3A : memref<!tpu.dma_semaphore, #tpu.memory_space<semaphore_mem>>) src(%arg9 : memref<256x128xf32, #tpu.memory_space<vmem>>) dst(%dma_wait3A_71 : memref<256x128xf32, #tpu.memory_space<hbm>>)
          tpu.yield
        }) : () -> ()
      } else {
      }
      %scan3A_29 = arith.constant 0 : i32
      scf.yield %scan3A_29 : i32
    }
    %scan3A_6 = arith.constant 17 : i32
    %eq3A = arith.constant 0 : i32
    %eq3A_7 = arith.cmpi eq, %add3A, %eq3A : i32
    %convert_element_type3A = arith.extui %eq3A_7 : i1 to i32
    %cond3A = arith.constant 0 : i32
    %cond3A_8 = arith.cmpi ne, %convert_element_type3A, %cond3A : i32
    scf.if %cond3A_8 {
      "tpu.region"() ({
        %run_scoped3A = tpu.sem_alloc : memref<!tpu.dma_semaphore, #tpu.memory_space<semaphore_mem>>
        %dma_start3A = arith.constant 0 : i32
        %dma_start3A_14 = arith.constant 0 : i32
        %dma_start3A_15 = tpu.memref_slice %arg9[%dma_start3A, %dma_start3A_14] : memref<256x128xf32, #tpu.memory_space<vmem>> -> memref<72x128xf32, #tpu.memory_space<vmem>>
        %dma_start3A_16 = arith.constant 0 : i32
        %dma_start3A_17 = arith.constant 0 : i32
        %dma_start3A_18 = tpu.memref_slice %arg9[%dma_start3A_16, %dma_start3A_17] : memref<256x128xf32, #tpu.memory_space<vmem>> -> memref<72x128xf32, #tpu.memory_space<vmem>>
        tpu.enqueue_dma source(%arg4 : memref<72x128xf32, #tpu.memory_space<hbm>>) target(%dma_start3A_18 : memref<72x128xf32, #tpu.memory_space<vmem>>) target_semaphore(%run_scoped3A : memref<!tpu.dma_semaphore, #tpu.memory_space<semaphore_mem>>)
        %dma_wait3A = arith.constant 0 : i32
        %dma_wait3A_19 = arith.constant 0 : i32
        %dma_wait3A_20 = tpu.memref_slice %arg9[%dma_wait3A, %dma_wait3A_19] : memref<256x128xf32, #tpu.memory_space<vmem>> -> memref<72x128xf32, #tpu.memory_space<vmem>>
        %dma_wait3A_21 = arith.constant 0 : i32
        %dma_wait3A_22 = arith.constant 0 : i32
        %dma_wait3A_23 = tpu.memref_slice %arg9[%dma_wait3A_21, %dma_wait3A_22] : memref<256x128xf32, #tpu.memory_space<vmem>> -> memref<72x128xf32, #tpu.memory_space<vmem>>
        tpu.wait_dma2 semaphore(%run_scoped3A : memref<!tpu.dma_semaphore, #tpu.memory_space<semaphore_mem>>) src(%arg4 : memref<72x128xf32, #tpu.memory_space<hbm>>) dst(%dma_wait3A_23 : memref<72x128xf32, #tpu.memory_space<vmem>>)
        tpu.yield
      }) : () -> ()
      "tpu.region"() ({
        %run_scoped3A = tpu.sem_alloc : memref<!tpu.dma_semaphore, #tpu.memory_space<semaphore_mem>>
        %dma_start3A = arith.constant 0 : i32
        %dma_start3A_14 = arith.constant 0 : i32
        %dma_start3A_15 = tpu.memref_slice %arg9[%dma_start3A, %dma_start3A_14] : memref<256x128xf32, #tpu.memory_space<vmem>> -> memref<72x128xf32, #tpu.memory_space<vmem>>
        %dma_start3A_16 = arith.constant 124928 : i32
        %dma_start3A_17 = arith.constant 0 : i32
        %dma_start3A_18 = tpu.memref_slice %arg6[%dma_start3A_16, %dma_start3A_17] : memref<125000x128xf32, #tpu.memory_space<hbm>> -> memref<72x128xf32, #tpu.memory_space<hbm>>
        %dma_start3A_19 = arith.constant 124928 : i32
        %dma_start3A_20 = arith.constant 0 : i32
        %dma_start3A_21 = tpu.memref_slice %arg6[%dma_start3A_19, %dma_start3A_20] : memref<125000x128xf32, #tpu.memory_space<hbm>> -> memref<72x128xf32, #tpu.memory_space<hbm>>
        %dma_start3A_22 = arith.constant 0 : i32
        %dma_start3A_23 = arith.constant 0 : i32
        %dma_start3A_24 = tpu.memref_slice %arg9[%dma_start3A_22, %dma_start3A_23] : memref<256x128xf32, #tpu.memory_space<vmem>> -> memref<72x128xf32, #tpu.memory_space<vmem>>
        tpu.enqueue_dma source(%dma_start3A_24 : memref<72x128xf32, #tpu.memory_space<vmem>>) target(%dma_start3A_21 : memref<72x128xf32, #tpu.memory_space<hbm>>) target_semaphore(%run_scoped3A : memref<!tpu.dma_semaphore, #tpu.memory_space<semaphore_mem>>)
        %dma_wait3A = arith.constant 0 : i32
        %dma_wait3A_25 = arith.constant 0 : i32
        %dma_wait3A_26 = tpu.memref_slice %arg9[%dma_wait3A, %dma_wait3A_25] : memref<256x128xf32, #tpu.memory_space<vmem>> -> memref<72x128xf32, #tpu.memory_space<vmem>>
        %dma_wait3A_27 = arith.constant 124928 : i32
        %dma_wait3A_28 = arith.constant 0 : i32
        %dma_wait3A_29 = tpu.memref_slice %arg6[%dma_wait3A_27, %dma_wait3A_28] : memref<125000x128xf32, #tpu.memory_space<hbm>> -> memref<72x128xf32, #tpu.memory_space<hbm>>
        %dma_wait3A_30 = arith.constant 124928 : i32
        %dma_wait3A_31 = arith.constant 0 : i32
        %dma_wait3A_32 = tpu.memref_slice %arg6[%dma_wait3A_30, %dma_wait3A_31] : memref<125000x128xf32, #tpu.memory_space<hbm>> -> memref<72x128xf32, #tpu.memory_space<hbm>>
        %dma_wait3A_33 = arith.constant 0 : i32
        %dma_wait3A_34 = arith.constant 0 : i32
        %dma_wait3A_35 = tpu.memref_slice %arg9[%dma_wait3A_33, %dma_wait3A_34] : memref<256x128xf32, #tpu.memory_space<vmem>> -> memref<72x128xf32, #tpu.memory_space<vmem>>
        tpu.wait_dma2 semaphore(%run_scoped3A : memref<!tpu.dma_semaphore, #tpu.memory_space<semaphore_mem>>) src(%dma_wait3A_35 : memref<72x128xf32, #tpu.memory_space<vmem>>) dst(%dma_wait3A_32 : memref<72x128xf32, #tpu.memory_space<hbm>>)
        tpu.yield
      }) : () -> ()
    } else {
    }
    %eq3A_9 = arith.constant 1 : i32
    %eq3A_10 = arith.cmpi eq, %add3A, %eq3A_9 : i32
    %convert_element_type3A_11 = arith.extui %eq3A_10 : i1 to i32
    %cond3A_12 = arith.constant 0 : i32
    %cond3A_13 = arith.cmpi ne, %convert_element_type3A_11, %cond3A_12 : i32
    scf.if %cond3A_13 {
      "tpu.region"() ({
        %run_scoped3A = tpu.sem_alloc : memref<!tpu.dma_semaphore, #tpu.memory_space<semaphore_mem>>
        %dma_start3A = arith.constant 0 : i32
        %dma_start3A_14 = arith.constant 0 : i32
        %dma_start3A_15 = tpu.memref_slice %arg9[%dma_start3A, %dma_start3A_14] : memref<256x128xf32, #tpu.memory_space<vmem>> -> memref<216x128xf32, #tpu.memory_space<vmem>>
        %dma_start3A_16 = arith.constant 0 : i32
        %dma_start3A_17 = arith.constant 0 : i32
        %dma_start3A_18 = tpu.memref_slice %arg9[%dma_start3A_16, %dma_start3A_17] : memref<256x128xf32, #tpu.memory_space<vmem>> -> memref<216x128xf32, #tpu.memory_space<vmem>>
        tpu.enqueue_dma source(%arg5 : memref<216x128xf32, #tpu.memory_space<hbm>>) target(%dma_start3A_18 : memref<216x128xf32, #tpu.memory_space<vmem>>) target_semaphore(%run_scoped3A : memref<!tpu.dma_semaphore, #tpu.memory_space<semaphore_mem>>)
        %dma_wait3A = arith.constant 0 : i32
        %dma_wait3A_19 = arith.constant 0 : i32
        %dma_wait3A_20 = tpu.memref_slice %arg9[%dma_wait3A, %dma_wait3A_19] : memref<256x128xf32, #tpu.memory_space<vmem>> -> memref<216x128xf32, #tpu.memory_space<vmem>>
        %dma_wait3A_21 = arith.constant 0 : i32
        %dma_wait3A_22 = arith.constant 0 : i32
        %dma_wait3A_23 = tpu.memref_slice %arg9[%dma_wait3A_21, %dma_wait3A_22] : memref<256x128xf32, #tpu.memory_space<vmem>> -> memref<216x128xf32, #tpu.memory_space<vmem>>
        tpu.wait_dma2 semaphore(%run_scoped3A : memref<!tpu.dma_semaphore, #tpu.memory_space<semaphore_mem>>) src(%arg5 : memref<216x128xf32, #tpu.memory_space<hbm>>) dst(%dma_wait3A_23 : memref<216x128xf32, #tpu.memory_space<vmem>>)
        tpu.yield
      }) : () -> ()
      "tpu.region"() ({
        %run_scoped3A = tpu.sem_alloc : memref<!tpu.dma_semaphore, #tpu.memory_space<semaphore_mem>>
        %dma_start3A = arith.constant 0 : i32
        %dma_start3A_14 = arith.constant 0 : i32
        %dma_start3A_15 = tpu.memref_slice %arg9[%dma_start3A, %dma_start3A_14] : memref<256x128xf32, #tpu.memory_space<vmem>> -> memref<216x128xf32, #tpu.memory_space<vmem>>
        %dma_start3A_16 = arith.constant 12288 : i32
        %dma_start3A_17 = arith.constant 0 : i32
        %dma_start3A_18 = tpu.memref_slice %arg7[%dma_start3A_16, %dma_start3A_17] : memref<12504x128xf32, #tpu.memory_space<hbm>> -> memref<216x128xf32, #tpu.memory_space<hbm>>
        %dma_start3A_19 = arith.constant 12288 : i32
        %dma_start3A_20 = arith.constant 0 : i32
        %dma_start3A_21 = tpu.memref_slice %arg7[%dma_start3A_19, %dma_start3A_20] : memref<12504x128xf32, #tpu.memory_space<hbm>> -> memref<216x128xf32, #tpu.memory_space<hbm>>
        %dma_start3A_22 = arith.constant 0 : i32
        %dma_start3A_23 = arith.constant 0 : i32
        %dma_start3A_24 = tpu.memref_slice %arg9[%dma_start3A_22, %dma_start3A_23] : memref<256x128xf32, #tpu.memory_space<vmem>> -> memref<216x128xf32, #tpu.memory_space<vmem>>
        tpu.enqueue_dma source(%dma_start3A_24 : memref<216x128xf32, #tpu.memory_space<vmem>>) target(%dma_start3A_21 : memref<216x128xf32, #tpu.memory_space<hbm>>) target_semaphore(%run_scoped3A : memref<!tpu.dma_semaphore, #tpu.memory_space<semaphore_mem>>)
        %dma_wait3A = arith.constant 0 : i32
        %dma_wait3A_25 = arith.constant 0 : i32
        %dma_wait3A_26 = tpu.memref_slice %arg9[%dma_wait3A, %dma_wait3A_25] : memref<256x128xf32, #tpu.memory_space<vmem>> -> memref<216x128xf32, #tpu.memory_space<vmem>>
        %dma_wait3A_27 = arith.constant 12288 : i32
        %dma_wait3A_28 = arith.constant 0 : i32
        %dma_wait3A_29 = tpu.memref_slice %arg7[%dma_wait3A_27, %dma_wait3A_28] : memref<12504x128xf32, #tpu.memory_space<hbm>> -> memref<216x128xf32, #tpu.memory_space<hbm>>
        %dma_wait3A_30 = arith.constant 12288 : i32
        %dma_wait3A_31 = arith.constant 0 : i32
        %dma_wait3A_32 = tpu.memref_slice %arg7[%dma_wait3A_30, %dma_wait3A_31] : memref<12504x128xf32, #tpu.memory_space<hbm>> -> memref<216x128xf32, #tpu.memory_space<hbm>>
        %dma_wait3A_33 = arith.constant 0 : i32
        %dma_wait3A_34 = arith.constant 0 : i32
        %dma_wait3A_35 = tpu.memref_slice %arg9[%dma_wait3A_33, %dma_wait3A_34] : memref<256x128xf32, #tpu.memory_space<vmem>> -> memref<216x128xf32, #tpu.memory_space<vmem>>
        tpu.wait_dma2 semaphore(%run_scoped3A : memref<!tpu.dma_semaphore, #tpu.memory_space<semaphore_mem>>) src(%dma_wait3A_35 : memref<216x128xf32, #tpu.memory_space<vmem>>) dst(%dma_wait3A_32 : memref<216x128xf32, #tpu.memory_space<hbm>>)
        tpu.yield
      }) : () -> ()
    } else {
    }
    return
  }
}

#map = affine_map<(d0, d1) -> (0, 0)>
module attributes {stable_mosaic.version = 14 : i64} {
  func.func @_gather_concat(%arg0: i32, %arg1: i32, %arg2: memref<5x81920xi32, #tpu.memory_space<hbm>>, %arg3: memref<125000x128xf32, #tpu.memory_space<hbm>>, %arg4: memref<12504x128xf32, #tpu.memory_space<hbm>>, %arg5: memref<960x4096xf32, #tpu.memory_space<hbm>>, %arg6: memref<5x640xi32, #tpu.memory_space<vmem>>, %arg7: memref<640xi32, #tpu.memory_space<vmem>>, %arg8: memref<640x128xf32, #tpu.memory_space<vmem>>, %arg9: memref<960x32xf32, #tpu.memory_space<vmem>>, %arg10: memref<!tpu.dma_semaphore, #tpu.memory_space<semaphore_mem>>) attributes {dimension_semantics = [#tpu.dimension_semantics<core_parallel>, #tpu.dimension_semantics<subcore_parallel>], iteration_bounds = array<i64: 2, 16>, scalar_prefetch = 0 : i64, scratch_operands = 5 : i64, tpu.core_type = #tpu.core_type<sc_vector_subcore>, window_params = [{transform_indices = #map}, {transform_indices = #map}, {transform_indices = #map}, {transform_indices = #map}]} {
    %mul3A = arith.constant 2 : i32
    %mul3A_0 = arith.muli %arg1, %mul3A : i32
    %add3A = arith.addi %mul3A_0, %arg0 : i32
    %scan3A = arith.constant 0 : i32
    %scan3A_1 = arith.constant 0 : i32
    %scan3A_2 = arith.constant 4 : i32
    %scan3A_3 = arith.addi %scan3A_1, %scan3A_2 : i32
    %scan3A_4 = arith.constant 1 : i32
    %scan3A_5 = scf.for %scan3A_7 = %scan3A_1 to %scan3A_3 step %scan3A_4 iter_args(%scan3A_8 = %scan3A) -> (i32)  : i32 {
      %mul3A_9 = arith.constant 128 : i32
      %mul3A_10 = arith.muli %add3A, %mul3A_9 : i32
      %mul3A_11 = arith.constant 32 : i32
      %mul3A_12 = arith.muli %scan3A_7, %mul3A_11 : i32
      %add3A_13 = arith.addi %mul3A_10, %mul3A_12 : i32
      %mul3A_14 = arith.constant 20 : i32
      %mul3A_15 = arith.muli %add3A_13, %mul3A_14 : i32
      "tpu.region"() ({
        %run_scoped3A = tpu.sem_alloc : memref<!tpu.dma_semaphore, #tpu.memory_space<semaphore_mem>>
        %dma_start3A_75 = arith.constant 0 : i32
        %dma_start3A_76 = tpu.memref_slice %arg2[%dma_start3A_75, %mul3A_15] : memref<5x81920xi32, #tpu.memory_space<hbm>> -> memref<5x640xi32, #tpu.memory_space<hbm>>
        %dma_start3A_77 = arith.constant 0 : i32
        %dma_start3A_78 = tpu.memref_slice %arg2[%dma_start3A_77, %mul3A_15] : memref<5x81920xi32, #tpu.memory_space<hbm>> -> memref<5x640xi32, #tpu.memory_space<hbm>>
        tpu.enqueue_dma source(%dma_start3A_78 : memref<5x640xi32, #tpu.memory_space<hbm>>) target(%arg6 : memref<5x640xi32, #tpu.memory_space<vmem>>) target_semaphore(%run_scoped3A : memref<!tpu.dma_semaphore, #tpu.memory_space<semaphore_mem>>)
        %dma_wait3A_79 = arith.constant 0 : i32
        %dma_wait3A_80 = tpu.memref_slice %arg2[%dma_wait3A_79, %mul3A_15] : memref<5x81920xi32, #tpu.memory_space<hbm>> -> memref<5x640xi32, #tpu.memory_space<hbm>>
        %dma_wait3A_81 = arith.constant 0 : i32
        %dma_wait3A_82 = tpu.memref_slice %arg2[%dma_wait3A_81, %mul3A_15] : memref<5x81920xi32, #tpu.memory_space<hbm>> -> memref<5x640xi32, #tpu.memory_space<hbm>>
        tpu.wait_dma2 semaphore(%run_scoped3A : memref<!tpu.dma_semaphore, #tpu.memory_space<semaphore_mem>>) src(%dma_wait3A_82 : memref<5x640xi32, #tpu.memory_space<hbm>>) dst(%arg6 : memref<5x640xi32, #tpu.memory_space<vmem>>)
        tpu.yield
      }) : () -> ()
      %scan3A_16 = arith.constant 0 : i32
      %scan3A_17 = arith.constant 0 : i32
      %scan3A_18 = arith.constant 40 : i32
      %scan3A_19 = arith.addi %scan3A_17, %scan3A_18 : i32
      %scan3A_20 = arith.constant 1 : i32
      %scan3A_21 = scf.for %scan3A_75 = %scan3A_17 to %scan3A_19 step %scan3A_20 iter_args(%scan3A_76 = %scan3A_16) -> (i32)  : i32 {
        %mul3A_77 = arith.constant 16 : i32
        %mul3A_78 = arith.muli %scan3A_75, %mul3A_77 : i32
        %get3A = arith.constant 0 : i32
        %get3A_79 = arith.index_cast %get3A : i32 to index
        %get3A_80 = arith.index_cast %mul3A_78 : i32 to index
        %get3A_81 = tpu.vector_load %arg6[%get3A_79, %get3A_80] {strides = array<i32>} : memref<5x640xi32, #tpu.memory_space<vmem>>, vector<16xi32>,
        %shift_right_arithmetic3A = arith.constant 3 : i32
        %shift_right_arithmetic3A_82 = vector.broadcast %shift_right_arithmetic3A : i32 to vector<16xi32>
        %shift_right_arithmetic3A_83 = arith.shrsi %get3A_81, %shift_right_arithmetic3A_82 : vector<16xi32>
        %mul3A_84 = arith.constant 16 : i32
        %mul3A_85 = arith.muli %scan3A_75, %mul3A_84 : i32
        %swap3A = arith.index_cast %mul3A_85 : i32 to index
        %swap3A_86 = tpu.vector_load %arg7[%swap3A] {strides = array<i32>} : memref<640xi32, #tpu.memory_space<vmem>>, vector<16xi32>,
        tpu.vector_store %arg7[%swap3A], %shift_right_arithmetic3A_83 {strides = array<i32>} : memref<640xi32, #tpu.memory_space<vmem>>, vector<16xi32>,
        %scan3A_87 = arith.constant 0 : i32
        scf.yield %scan3A_87 : i32
      }
      %scan3A_22 = arith.constant 40 : i32
      %dma_start3A = arith.constant 0 : i32
      %dma_start3A_23 = arith.constant 0 : i32
      %dma_start3A_24 = tpu.memref_slice %arg3[%dma_start3A, %dma_start3A_23] : memref<125000x128xf32, #tpu.memory_space<hbm>> -> memref<125000x128xf32, #tpu.memory_space<hbm>>
      tpu.enqueue_indirect_dma source(%dma_start3A_24 : memref<125000x128xf32, #tpu.memory_space<hbm>>) target(%arg8 : memref<640x128xf32, #tpu.memory_space<vmem>>) offsets(%arg7 : memref<640xi32, #tpu.memory_space<vmem>>) semaphore(%arg10 : memref<!tpu.dma_semaphore, #tpu.memory_space<semaphore_mem>>)
      %dma_wait3A = arith.constant 0 : i32
      %dma_wait3A_25 = arith.constant 0 : i32
      %dma_wait3A_26 = tpu.memref_slice %arg3[%dma_wait3A, %dma_wait3A_25] : memref<125000x128xf32, #tpu.memory_space<hbm>> -> memref<125000x128xf32, #tpu.memory_space<hbm>>
      tpu.wait_indirect_dma semaphore(%arg10 : memref<!tpu.dma_semaphore, #tpu.memory_space<semaphore_mem>>) src(%dma_wait3A_26 : memref<125000x128xf32, #tpu.memory_space<hbm>>) dst(%arg8 : memref<640x128xf32, #tpu.memory_space<vmem>>)
      %scan3A_27 = arith.constant 0 : i32
      %scan3A_28 = arith.constant 0 : i32
      %scan3A_29 = arith.constant 40 : i32
      %scan3A_30 = arith.addi %scan3A_28, %scan3A_29 : i32
      %scan3A_31 = arith.constant 1 : i32
      %scan3A_32 = scf.for %scan3A_75 = %scan3A_28 to %scan3A_30 step %scan3A_31 iter_args(%scan3A_76 = %scan3A_27) -> (i32)  : i32 {
        %iota3A = tpu.iota {dimensions = array<i32: 0>} : vector<16xi32>
        %mul3A_77 = arith.constant 16 : i32
        %mul3A_78 = arith.muli %scan3A_75, %mul3A_77 : i32
        %add3A_79 = vector.broadcast %mul3A_78 : i32 to vector<16xi32>
        %add3A_80 = arith.addi %iota3A, %add3A_79 : vector<16xi32>
        %mul3A_81 = arith.constant 16 : i32
        %mul3A_82 = arith.muli %scan3A_75, %mul3A_81 : i32
        %get3A = arith.constant 0 : i32
        %get3A_83 = arith.index_cast %get3A : i32 to index
        %get3A_84 = arith.index_cast %mul3A_82 : i32 to index
        %get3A_85 = tpu.vector_load %arg6[%get3A_83, %get3A_84] {strides = array<i32>} : memref<5x640xi32, #tpu.memory_space<vmem>>, vector<16xi32>,
        %and3A = arith.constant 7 : i32
        %and3A_86 = vector.broadcast %and3A : i32 to vector<16xi32>
        %and3A_87 = arith.andi %get3A_85, %and3A_86 : vector<16xi32>
        %shift_left3A = arith.constant 4 : i32
        %shift_left3A_88 = vector.broadcast %shift_left3A : i32 to vector<16xi32>
        %shift_left3A_89 = arith.shli %and3A_87, %shift_left3A_88 : vector<16xi32>
        %mul3A_90 = arith.constant 16 : i32
        %mul3A_91 = arith.muli %scan3A_75, %mul3A_90 : i32
        %get3A_92 = arith.constant 3 : i32
        %get3A_93 = arith.index_cast %get3A_92 : i32 to index
        %get3A_94 = arith.index_cast %mul3A_91 : i32 to index
        %get3A_95 = tpu.vector_load %arg6[%get3A_93, %get3A_94] {strides = array<i32>} : memref<5x640xi32, #tpu.memory_space<vmem>>, vector<16xi32>,
        %add3A_96 = arith.constant 0 : i32
        %add3A_97 = vector.broadcast %add3A_96 : i32 to vector<16xi32>
        %add3A_98 = arith.addi %get3A_95, %add3A_97 : vector<16xi32>
        %mul3A_99 = arith.constant 16 : i32
        %mul3A_100 = arith.muli %scan3A_75, %mul3A_99 : i32
        %get3A_101 = arith.constant 4 : i32
        %get3A_102 = arith.index_cast %get3A_101 : i32 to index
        %get3A_103 = arith.index_cast %mul3A_100 : i32 to index
        %get3A_104 = tpu.vector_load %arg6[%get3A_102, %get3A_103] {strides = array<i32>} : memref<5x640xi32, #tpu.memory_space<vmem>>, vector<16xi32>,
        %sub3A = vector.broadcast %add3A_13 : i32 to vector<16xi32>
        %sub3A_105 = arith.subi %get3A_104, %sub3A : vector<16xi32>
        %add3A_106 = arith.constant 0 : i32
        %add3A_107 = vector.broadcast %add3A_106 : i32 to vector<16xi32>
        %add3A_108 = arith.addi %shift_left3A_89, %add3A_107 : vector<16xi32>
        %gather3A = tpu.vector_load_idx %arg8[%add3A_80, %add3A_108] : memref<640x128xf32, #tpu.memory_space<vmem>>[vector<16xi32>, vector<16xi32>], vector<16xf32>,
        %add3A_109 = arith.constant 0 : i32
        %add3A_110 = vector.broadcast %add3A_109 : i32 to vector<16xi32>
        %add3A_111 = arith.addi %add3A_98, %add3A_110 : vector<16xi32>
        tpu.vector_store_idx %arg9[%add3A_111, %sub3A_105], %gather3A : memref<960x32xf32, #tpu.memory_space<vmem>>[vector<16xi32>, vector<16xi32>], vector<16xf32>,
        %add3A_112 = arith.constant 1 : i32
        %add3A_113 = vector.broadcast %add3A_112 : i32 to vector<16xi32>
        %add3A_114 = arith.addi %shift_left3A_89, %add3A_113 : vector<16xi32>
        %gather3A_115 = tpu.vector_load_idx %arg8[%add3A_80, %add3A_114] : memref<640x128xf32, #tpu.memory_space<vmem>>[vector<16xi32>, vector<16xi32>], vector<16xf32>,
        %add3A_116 = arith.constant 1 : i32
        %add3A_117 = vector.broadcast %add3A_116 : i32 to vector<16xi32>
        %add3A_118 = arith.addi %add3A_98, %add3A_117 : vector<16xi32>
        tpu.vector_store_idx %arg9[%add3A_118, %sub3A_105], %gather3A_115 : memref<960x32xf32, #tpu.memory_space<vmem>>[vector<16xi32>, vector<16xi32>], vector<16xf32>,
        %add3A_119 = arith.constant 2 : i32
        %add3A_120 = vector.broadcast %add3A_119 : i32 to vector<16xi32>
        %add3A_121 = arith.addi %shift_left3A_89, %add3A_120 : vector<16xi32>
        %gather3A_122 = tpu.vector_load_idx %arg8[%add3A_80, %add3A_121] : memref<640x128xf32, #tpu.memory_space<vmem>>[vector<16xi32>, vector<16xi32>], vector<16xf32>,
        %add3A_123 = arith.constant 2 : i32
        %add3A_124 = vector.broadcast %add3A_123 : i32 to vector<16xi32>
        %add3A_125 = arith.addi %add3A_98, %add3A_124 : vector<16xi32>
        tpu.vector_store_idx %arg9[%add3A_125, %sub3A_105], %gather3A_122 : memref<960x32xf32, #tpu.memory_space<vmem>>[vector<16xi32>, vector<16xi32>], vector<16xf32>,
        %add3A_126 = arith.constant 3 : i32
        %add3A_127 = vector.broadcast %add3A_126 : i32 to vector<16xi32>
        %add3A_128 = arith.addi %shift_left3A_89, %add3A_127 : vector<16xi32>
        %gather3A_129 = tpu.vector_load_idx %arg8[%add3A_80, %add3A_128] : memref<640x128xf32, #tpu.memory_space<vmem>>[vector<16xi32>, vector<16xi32>], vector<16xf32>,
        %add3A_130 = arith.constant 3 : i32
        %add3A_131 = vector.broadcast %add3A_130 : i32 to vector<16xi32>
        %add3A_132 = arith.addi %add3A_98, %add3A_131 : vector<16xi32>
        tpu.vector_store_idx %arg9[%add3A_132, %sub3A_105], %gather3A_129 : memref<960x32xf32, #tpu.memory_space<vmem>>[vector<16xi32>, vector<16xi32>], vector<16xf32>,
        %add3A_133 = arith.constant 4 : i32
        %add3A_134 = vector.broadcast %add3A_133 : i32 to vector<16xi32>
        %add3A_135 = arith.addi %shift_left3A_89, %add3A_134 : vector<16xi32>
        %gather3A_136 = tpu.vector_load_idx %arg8[%add3A_80, %add3A_135] : memref<640x128xf32, #tpu.memory_space<vmem>>[vector<16xi32>, vector<16xi32>], vector<16xf32>,
        %add3A_137 = arith.constant 4 : i32
        %add3A_138 = vector.broadcast %add3A_137 : i32 to vector<16xi32>
        %add3A_139 = arith.addi %add3A_98, %add3A_138 : vector<16xi32>
        tpu.vector_store_idx %arg9[%add3A_139, %sub3A_105], %gather3A_136 : memref<960x32xf32, #tpu.memory_space<vmem>>[vector<16xi32>, vector<16xi32>], vector<16xf32>,
        %add3A_140 = arith.constant 5 : i32
        %add3A_141 = vector.broadcast %add3A_140 : i32 to vector<16xi32>
        %add3A_142 = arith.addi %shift_left3A_89, %add3A_141 : vector<16xi32>
        %gather3A_143 = tpu.vector_load_idx %arg8[%add3A_80, %add3A_142] : memref<640x128xf32, #tpu.memory_space<vmem>>[vector<16xi32>, vector<16xi32>], vector<16xf32>,
        %add3A_144 = arith.constant 5 : i32
        %add3A_145 = vector.broadcast %add3A_144 : i32 to vector<16xi32>
        %add3A_146 = arith.addi %add3A_98, %add3A_145 : vector<16xi32>
        tpu.vector_store_idx %arg9[%add3A_146, %sub3A_105], %gather3A_143 : memref<960x32xf32, #tpu.memory_space<vmem>>[vector<16xi32>, vector<16xi32>], vector<16xf32>,
        %add3A_147 = arith.constant 6 : i32
        %add3A_148 = vector.broadcast %add3A_147 : i32 to vector<16xi32>
        %add3A_149 = arith.addi %shift_left3A_89, %add3A_148 : vector<16xi32>
        %gather3A_150 = tpu.vector_load_idx %arg8[%add3A_80, %add3A_149] : memref<640x128xf32, #tpu.memory_space<vmem>>[vector<16xi32>, vector<16xi32>], vector<16xf32>,
        %add3A_151 = arith.constant 6 : i32
        %add3A_152 = vector.broadcast %add3A_151 : i32 to vector<16xi32>
        %add3A_153 = arith.addi %add3A_98, %add3A_152 : vector<16xi32>
        tpu.vector_store_idx %arg9[%add3A_153, %sub3A_105], %gather3A_150 : memref<960x32xf32, #tpu.memory_space<vmem>>[vector<16xi32>, vector<16xi32>], vector<16xf32>,
        %add3A_154 = arith.constant 7 : i32
        %add3A_155 = vector.broadcast %add3A_154 : i32 to vector<16xi32>
        %add3A_156 = arith.addi %shift_left3A_89, %add3A_155 : vector<16xi32>
        %gather3A_157 = tpu.vector_load_idx %arg8[%add3A_80, %add3A_156] : memref<640x128xf32, #tpu.memory_space<vmem>>[vector<16xi32>, vector<16xi32>], vector<16xf32>,
        %add3A_158 = arith.constant 7 : i32
        %add3A_159 = vector.broadcast %add3A_158 : i32 to vector<16xi32>
        %add3A_160 = arith.addi %add3A_98, %add3A_159 : vector<16xi32>
        tpu.vector_store_idx %arg9[%add3A_160, %sub3A_105], %gather3A_157 : memref<960x32xf32, #tpu.memory_space<vmem>>[vector<16xi32>, vector<16xi32>], vector<16xf32>,
        %add3A_161 = arith.constant 8 : i32
        %add3A_162 = vector.broadcast %add3A_161 : i32 to vector<16xi32>
        %add3A_163 = arith.addi %shift_left3A_89, %add3A_162 : vector<16xi32>
        %gather3A_164 = tpu.vector_load_idx %arg8[%add3A_80, %add3A_163] : memref<640x128xf32, #tpu.memory_space<vmem>>[vector<16xi32>, vector<16xi32>], vector<16xf32>,
        %add3A_165 = arith.constant 8 : i32
        %add3A_166 = vector.broadcast %add3A_165 : i32 to vector<16xi32>
        %add3A_167 = arith.addi %add3A_98, %add3A_166 : vector<16xi32>
        tpu.vector_store_idx %arg9[%add3A_167, %sub3A_105], %gather3A_164 : memref<960x32xf32, #tpu.memory_space<vmem>>[vector<16xi32>, vector<16xi32>], vector<16xf32>,
        %add3A_168 = arith.constant 9 : i32
        %add3A_169 = vector.broadcast %add3A_168 : i32 to vector<16xi32>
        %add3A_170 = arith.addi %shift_left3A_89, %add3A_169 : vector<16xi32>
        %gather3A_171 = tpu.vector_load_idx %arg8[%add3A_80, %add3A_170] : memref<640x128xf32, #tpu.memory_space<vmem>>[vector<16xi32>, vector<16xi32>], vector<16xf32>,
        %add3A_172 = arith.constant 9 : i32
        %add3A_173 = vector.broadcast %add3A_172 : i32 to vector<16xi32>
        %add3A_174 = arith.addi %add3A_98, %add3A_173 : vector<16xi32>
        tpu.vector_store_idx %arg9[%add3A_174, %sub3A_105], %gather3A_171 : memref<960x32xf32, #tpu.memory_space<vmem>>[vector<16xi32>, vector<16xi32>], vector<16xf32>,
        %add3A_175 = arith.constant 10 : i32
        %add3A_176 = vector.broadcast %add3A_175 : i32 to vector<16xi32>
        %add3A_177 = arith.addi %shift_left3A_89, %add3A_176 : vector<16xi32>
        %gather3A_178 = tpu.vector_load_idx %arg8[%add3A_80, %add3A_177] : memref<640x128xf32, #tpu.memory_space<vmem>>[vector<16xi32>, vector<16xi32>], vector<16xf32>,
        %add3A_179 = arith.constant 10 : i32
        %add3A_180 = vector.broadcast %add3A_179 : i32 to vector<16xi32>
        %add3A_181 = arith.addi %add3A_98, %add3A_180 : vector<16xi32>
        tpu.vector_store_idx %arg9[%add3A_181, %sub3A_105], %gather3A_178 : memref<960x32xf32, #tpu.memory_space<vmem>>[vector<16xi32>, vector<16xi32>], vector<16xf32>,
        %add3A_182 = arith.constant 11 : i32
        %add3A_183 = vector.broadcast %add3A_182 : i32 to vector<16xi32>
        %add3A_184 = arith.addi %shift_left3A_89, %add3A_183 : vector<16xi32>
        %gather3A_185 = tpu.vector_load_idx %arg8[%add3A_80, %add3A_184] : memref<640x128xf32, #tpu.memory_space<vmem>>[vector<16xi32>, vector<16xi32>], vector<16xf32>,
        %add3A_186 = arith.constant 11 : i32
        %add3A_187 = vector.broadcast %add3A_186 : i32 to vector<16xi32>
        %add3A_188 = arith.addi %add3A_98, %add3A_187 : vector<16xi32>
        tpu.vector_store_idx %arg9[%add3A_188, %sub3A_105], %gather3A_185 : memref<960x32xf32, #tpu.memory_space<vmem>>[vector<16xi32>, vector<16xi32>], vector<16xf32>,
        %add3A_189 = arith.constant 12 : i32
        %add3A_190 = vector.broadcast %add3A_189 : i32 to vector<16xi32>
        %add3A_191 = arith.addi %shift_left3A_89, %add3A_190 : vector<16xi32>
        %gather3A_192 = tpu.vector_load_idx %arg8[%add3A_80, %add3A_191] : memref<640x128xf32, #tpu.memory_space<vmem>>[vector<16xi32>, vector<16xi32>], vector<16xf32>,
        %add3A_193 = arith.constant 12 : i32
        %add3A_194 = vector.broadcast %add3A_193 : i32 to vector<16xi32>
        %add3A_195 = arith.addi %add3A_98, %add3A_194 : vector<16xi32>
        tpu.vector_store_idx %arg9[%add3A_195, %sub3A_105], %gather3A_192 : memref<960x32xf32, #tpu.memory_space<vmem>>[vector<16xi32>, vector<16xi32>], vector<16xf32>,
        %add3A_196 = arith.constant 13 : i32
        %add3A_197 = vector.broadcast %add3A_196 : i32 to vector<16xi32>
        %add3A_198 = arith.addi %shift_left3A_89, %add3A_197 : vector<16xi32>
        %gather3A_199 = tpu.vector_load_idx %arg8[%add3A_80, %add3A_198] : memref<640x128xf32, #tpu.memory_space<vmem>>[vector<16xi32>, vector<16xi32>], vector<16xf32>,
        %add3A_200 = arith.constant 13 : i32
        %add3A_201 = vector.broadcast %add3A_200 : i32 to vector<16xi32>
        %add3A_202 = arith.addi %add3A_98, %add3A_201 : vector<16xi32>
        tpu.vector_store_idx %arg9[%add3A_202, %sub3A_105], %gather3A_199 : memref<960x32xf32, #tpu.memory_space<vmem>>[vector<16xi32>, vector<16xi32>], vector<16xf32>,
        %add3A_203 = arith.constant 14 : i32
        %add3A_204 = vector.broadcast %add3A_203 : i32 to vector<16xi32>
        %add3A_205 = arith.addi %shift_left3A_89, %add3A_204 : vector<16xi32>
        %gather3A_206 = tpu.vector_load_idx %arg8[%add3A_80, %add3A_205] : memref<640x128xf32, #tpu.memory_space<vmem>>[vector<16xi32>, vector<16xi32>], vector<16xf32>,
        %add3A_207 = arith.constant 14 : i32
        %add3A_208 = vector.broadcast %add3A_207 : i32 to vector<16xi32>
        %add3A_209 = arith.addi %add3A_98, %add3A_208 : vector<16xi32>
        tpu.vector_store_idx %arg9[%add3A_209, %sub3A_105], %gather3A_206 : memref<960x32xf32, #tpu.memory_space<vmem>>[vector<16xi32>, vector<16xi32>], vector<16xf32>,
        %add3A_210 = arith.constant 15 : i32
        %add3A_211 = vector.broadcast %add3A_210 : i32 to vector<16xi32>
        %add3A_212 = arith.addi %shift_left3A_89, %add3A_211 : vector<16xi32>
        %gather3A_213 = tpu.vector_load_idx %arg8[%add3A_80, %add3A_212] : memref<640x128xf32, #tpu.memory_space<vmem>>[vector<16xi32>, vector<16xi32>], vector<16xf32>,
        %add3A_214 = arith.constant 15 : i32
        %add3A_215 = vector.broadcast %add3A_214 : i32 to vector<16xi32>
        %add3A_216 = arith.addi %add3A_98, %add3A_215 : vector<16xi32>
        tpu.vector_store_idx %arg9[%add3A_216, %sub3A_105], %gather3A_213 : memref<960x32xf32, #tpu.memory_space<vmem>>[vector<16xi32>, vector<16xi32>], vector<16xf32>,
        %scan3A_217 = arith.constant 0 : i32
        scf.yield %scan3A_217 : i32
      }
      %scan3A_33 = arith.constant 40 : i32
      %scan3A_34 = arith.constant 0 : i32
      %scan3A_35 = arith.constant 0 : i32
      %scan3A_36 = arith.constant 40 : i32
      %scan3A_37 = arith.addi %scan3A_35, %scan3A_36 : i32
      %scan3A_38 = arith.constant 1 : i32
      %scan3A_39 = scf.for %scan3A_75 = %scan3A_35 to %scan3A_37 step %scan3A_38 iter_args(%scan3A_76 = %scan3A_34) -> (i32)  : i32 {
        %mul3A_77 = arith.constant 16 : i32
        %mul3A_78 = arith.muli %scan3A_75, %mul3A_77 : i32
        %get3A = arith.constant 1 : i32
        %get3A_79 = arith.index_cast %get3A : i32 to index
        %get3A_80 = arith.index_cast %mul3A_78 : i32 to index
        %get3A_81 = tpu.vector_load %arg6[%get3A_79, %get3A_80] {strides = array<i32>} : memref<5x640xi32, #tpu.memory_space<vmem>>, vector<16xi32>,
        %shift_right_arithmetic3A = arith.constant 3 : i32
        %shift_right_arithmetic3A_82 = vector.broadcast %shift_right_arithmetic3A : i32 to vector<16xi32>
        %shift_right_arithmetic3A_83 = arith.shrsi %get3A_81, %shift_right_arithmetic3A_82 : vector<16xi32>
        %mul3A_84 = arith.constant 16 : i32
        %mul3A_85 = arith.muli %scan3A_75, %mul3A_84 : i32
        %swap3A = arith.index_cast %mul3A_85 : i32 to index
        %swap3A_86 = tpu.vector_load %arg7[%swap3A] {strides = array<i32>} : memref<640xi32, #tpu.memory_space<vmem>>, vector<16xi32>,
        tpu.vector_store %arg7[%swap3A], %shift_right_arithmetic3A_83 {strides = array<i32>} : memref<640xi32, #tpu.memory_space<vmem>>, vector<16xi32>,
        %scan3A_87 = arith.constant 0 : i32
        scf.yield %scan3A_87 : i32
      }
      %scan3A_40 = arith.constant 40 : i32
      %dma_start3A_41 = arith.constant 0 : i32
      %dma_start3A_42 = arith.constant 0 : i32
      %dma_start3A_43 = tpu.memref_slice %arg4[%dma_start3A_41, %dma_start3A_42] : memref<12504x128xf32, #tpu.memory_space<hbm>> -> memref<12504x128xf32, #tpu.memory_space<hbm>>
      tpu.enqueue_indirect_dma source(%dma_start3A_43 : memref<12504x128xf32, #tpu.memory_space<hbm>>) target(%arg8 : memref<640x128xf32, #tpu.memory_space<vmem>>) offsets(%arg7 : memref<640xi32, #tpu.memory_space<vmem>>) semaphore(%arg10 : memref<!tpu.dma_semaphore, #tpu.memory_space<semaphore_mem>>)
      %dma_wait3A_44 = arith.constant 0 : i32
      %dma_wait3A_45 = arith.constant 0 : i32
      %dma_wait3A_46 = tpu.memref_slice %arg4[%dma_wait3A_44, %dma_wait3A_45] : memref<12504x128xf32, #tpu.memory_space<hbm>> -> memref<12504x128xf32, #tpu.memory_space<hbm>>
      tpu.wait_indirect_dma semaphore(%arg10 : memref<!tpu.dma_semaphore, #tpu.memory_space<semaphore_mem>>) src(%dma_wait3A_46 : memref<12504x128xf32, #tpu.memory_space<hbm>>) dst(%arg8 : memref<640x128xf32, #tpu.memory_space<vmem>>)
      %scan3A_47 = arith.constant 0 : i32
      %scan3A_48 = arith.constant 0 : i32
      %scan3A_49 = arith.constant 40 : i32
      %scan3A_50 = arith.addi %scan3A_48, %scan3A_49 : i32
      %scan3A_51 = arith.constant 1 : i32
      %scan3A_52 = scf.for %scan3A_75 = %scan3A_48 to %scan3A_50 step %scan3A_51 iter_args(%scan3A_76 = %scan3A_47) -> (i32)  : i32 {
        %iota3A = tpu.iota {dimensions = array<i32: 0>} : vector<16xi32>
        %mul3A_77 = arith.constant 16 : i32
        %mul3A_78 = arith.muli %scan3A_75, %mul3A_77 : i32
        %add3A_79 = vector.broadcast %mul3A_78 : i32 to vector<16xi32>
        %add3A_80 = arith.addi %iota3A, %add3A_79 : vector<16xi32>
        %mul3A_81 = arith.constant 16 : i32
        %mul3A_82 = arith.muli %scan3A_75, %mul3A_81 : i32
        %get3A = arith.constant 1 : i32
        %get3A_83 = arith.index_cast %get3A : i32 to index
        %get3A_84 = arith.index_cast %mul3A_82 : i32 to index
        %get3A_85 = tpu.vector_load %arg6[%get3A_83, %get3A_84] {strides = array<i32>} : memref<5x640xi32, #tpu.memory_space<vmem>>, vector<16xi32>,
        %and3A = arith.constant 7 : i32
        %and3A_86 = vector.broadcast %and3A : i32 to vector<16xi32>
        %and3A_87 = arith.andi %get3A_85, %and3A_86 : vector<16xi32>
        %shift_left3A = arith.constant 4 : i32
        %shift_left3A_88 = vector.broadcast %shift_left3A : i32 to vector<16xi32>
        %shift_left3A_89 = arith.shli %and3A_87, %shift_left3A_88 : vector<16xi32>
        %mul3A_90 = arith.constant 16 : i32
        %mul3A_91 = arith.muli %scan3A_75, %mul3A_90 : i32
        %get3A_92 = arith.constant 3 : i32
        %get3A_93 = arith.index_cast %get3A_92 : i32 to index
        %get3A_94 = arith.index_cast %mul3A_91 : i32 to index
        %get3A_95 = tpu.vector_load %arg6[%get3A_93, %get3A_94] {strides = array<i32>} : memref<5x640xi32, #tpu.memory_space<vmem>>, vector<16xi32>,
        %add3A_96 = arith.constant 16 : i32
        %add3A_97 = vector.broadcast %add3A_96 : i32 to vector<16xi32>
        %add3A_98 = arith.addi %get3A_95, %add3A_97 : vector<16xi32>
        %mul3A_99 = arith.constant 16 : i32
        %mul3A_100 = arith.muli %scan3A_75, %mul3A_99 : i32
        %get3A_101 = arith.constant 4 : i32
        %get3A_102 = arith.index_cast %get3A_101 : i32 to index
        %get3A_103 = arith.index_cast %mul3A_100 : i32 to index
        %get3A_104 = tpu.vector_load %arg6[%get3A_102, %get3A_103] {strides = array<i32>} : memref<5x640xi32, #tpu.memory_space<vmem>>, vector<16xi32>,
        %sub3A = vector.broadcast %add3A_13 : i32 to vector<16xi32>
        %sub3A_105 = arith.subi %get3A_104, %sub3A : vector<16xi32>
        %add3A_106 = arith.constant 0 : i32
        %add3A_107 = vector.broadcast %add3A_106 : i32 to vector<16xi32>
        %add3A_108 = arith.addi %shift_left3A_89, %add3A_107 : vector<16xi32>
        %gather3A = tpu.vector_load_idx %arg8[%add3A_80, %add3A_108] : memref<640x128xf32, #tpu.memory_space<vmem>>[vector<16xi32>, vector<16xi32>], vector<16xf32>,
        %add3A_109 = arith.constant 0 : i32
        %add3A_110 = vector.broadcast %add3A_109 : i32 to vector<16xi32>
        %add3A_111 = arith.addi %add3A_98, %add3A_110 : vector<16xi32>
        tpu.vector_store_idx %arg9[%add3A_111, %sub3A_105], %gather3A : memref<960x32xf32, #tpu.memory_space<vmem>>[vector<16xi32>, vector<16xi32>], vector<16xf32>,
        %add3A_112 = arith.constant 1 : i32
        %add3A_113 = vector.broadcast %add3A_112 : i32 to vector<16xi32>
        %add3A_114 = arith.addi %shift_left3A_89, %add3A_113 : vector<16xi32>
        %gather3A_115 = tpu.vector_load_idx %arg8[%add3A_80, %add3A_114] : memref<640x128xf32, #tpu.memory_space<vmem>>[vector<16xi32>, vector<16xi32>], vector<16xf32>,
        %add3A_116 = arith.constant 1 : i32
        %add3A_117 = vector.broadcast %add3A_116 : i32 to vector<16xi32>
        %add3A_118 = arith.addi %add3A_98, %add3A_117 : vector<16xi32>
        tpu.vector_store_idx %arg9[%add3A_118, %sub3A_105], %gather3A_115 : memref<960x32xf32, #tpu.memory_space<vmem>>[vector<16xi32>, vector<16xi32>], vector<16xf32>,
        %add3A_119 = arith.constant 2 : i32
        %add3A_120 = vector.broadcast %add3A_119 : i32 to vector<16xi32>
        %add3A_121 = arith.addi %shift_left3A_89, %add3A_120 : vector<16xi32>
        %gather3A_122 = tpu.vector_load_idx %arg8[%add3A_80, %add3A_121] : memref<640x128xf32, #tpu.memory_space<vmem>>[vector<16xi32>, vector<16xi32>], vector<16xf32>,
        %add3A_123 = arith.constant 2 : i32
        %add3A_124 = vector.broadcast %add3A_123 : i32 to vector<16xi32>
        %add3A_125 = arith.addi %add3A_98, %add3A_124 : vector<16xi32>
        tpu.vector_store_idx %arg9[%add3A_125, %sub3A_105], %gather3A_122 : memref<960x32xf32, #tpu.memory_space<vmem>>[vector<16xi32>, vector<16xi32>], vector<16xf32>,
        %add3A_126 = arith.constant 3 : i32
        %add3A_127 = vector.broadcast %add3A_126 : i32 to vector<16xi32>
        %add3A_128 = arith.addi %shift_left3A_89, %add3A_127 : vector<16xi32>
        %gather3A_129 = tpu.vector_load_idx %arg8[%add3A_80, %add3A_128] : memref<640x128xf32, #tpu.memory_space<vmem>>[vector<16xi32>, vector<16xi32>], vector<16xf32>,
        %add3A_130 = arith.constant 3 : i32
        %add3A_131 = vector.broadcast %add3A_130 : i32 to vector<16xi32>
        %add3A_132 = arith.addi %add3A_98, %add3A_131 : vector<16xi32>
        tpu.vector_store_idx %arg9[%add3A_132, %sub3A_105], %gather3A_129 : memref<960x32xf32, #tpu.memory_space<vmem>>[vector<16xi32>, vector<16xi32>], vector<16xf32>,
        %add3A_133 = arith.constant 4 : i32
        %add3A_134 = vector.broadcast %add3A_133 : i32 to vector<16xi32>
        %add3A_135 = arith.addi %shift_left3A_89, %add3A_134 : vector<16xi32>
        %gather3A_136 = tpu.vector_load_idx %arg8[%add3A_80, %add3A_135] : memref<640x128xf32, #tpu.memory_space<vmem>>[vector<16xi32>, vector<16xi32>], vector<16xf32>,
        %add3A_137 = arith.constant 4 : i32
        %add3A_138 = vector.broadcast %add3A_137 : i32 to vector<16xi32>
        %add3A_139 = arith.addi %add3A_98, %add3A_138 : vector<16xi32>
        tpu.vector_store_idx %arg9[%add3A_139, %sub3A_105], %gather3A_136 : memref<960x32xf32, #tpu.memory_space<vmem>>[vector<16xi32>, vector<16xi32>], vector<16xf32>,
        %add3A_140 = arith.constant 5 : i32
        %add3A_141 = vector.broadcast %add3A_140 : i32 to vector<16xi32>
        %add3A_142 = arith.addi %shift_left3A_89, %add3A_141 : vector<16xi32>
        %gather3A_143 = tpu.vector_load_idx %arg8[%add3A_80, %add3A_142] : memref<640x128xf32, #tpu.memory_space<vmem>>[vector<16xi32>, vector<16xi32>], vector<16xf32>,
        %add3A_144 = arith.constant 5 : i32
        %add3A_145 = vector.broadcast %add3A_144 : i32 to vector<16xi32>
        %add3A_146 = arith.addi %add3A_98, %add3A_145 : vector<16xi32>
        tpu.vector_store_idx %arg9[%add3A_146, %sub3A_105], %gather3A_143 : memref<960x32xf32, #tpu.memory_space<vmem>>[vector<16xi32>, vector<16xi32>], vector<16xf32>,
        %add3A_147 = arith.constant 6 : i32
        %add3A_148 = vector.broadcast %add3A_147 : i32 to vector<16xi32>
        %add3A_149 = arith.addi %shift_left3A_89, %add3A_148 : vector<16xi32>
        %gather3A_150 = tpu.vector_load_idx %arg8[%add3A_80, %add3A_149] : memref<640x128xf32, #tpu.memory_space<vmem>>[vector<16xi32>, vector<16xi32>], vector<16xf32>,
        %add3A_151 = arith.constant 6 : i32
        %add3A_152 = vector.broadcast %add3A_151 : i32 to vector<16xi32>
        %add3A_153 = arith.addi %add3A_98, %add3A_152 : vector<16xi32>
        tpu.vector_store_idx %arg9[%add3A_153, %sub3A_105], %gather3A_150 : memref<960x32xf32, #tpu.memory_space<vmem>>[vector<16xi32>, vector<16xi32>], vector<16xf32>,
        %add3A_154 = arith.constant 7 : i32
        %add3A_155 = vector.broadcast %add3A_154 : i32 to vector<16xi32>
        %add3A_156 = arith.addi %shift_left3A_89, %add3A_155 : vector<16xi32>
        %gather3A_157 = tpu.vector_load_idx %arg8[%add3A_80, %add3A_156] : memref<640x128xf32, #tpu.memory_space<vmem>>[vector<16xi32>, vector<16xi32>], vector<16xf32>,
        %add3A_158 = arith.constant 7 : i32
        %add3A_159 = vector.broadcast %add3A_158 : i32 to vector<16xi32>
        %add3A_160 = arith.addi %add3A_98, %add3A_159 : vector<16xi32>
        tpu.vector_store_idx %arg9[%add3A_160, %sub3A_105], %gather3A_157 : memref<960x32xf32, #tpu.memory_space<vmem>>[vector<16xi32>, vector<16xi32>], vector<16xf32>,
        %add3A_161 = arith.constant 8 : i32
        %add3A_162 = vector.broadcast %add3A_161 : i32 to vector<16xi32>
        %add3A_163 = arith.addi %shift_left3A_89, %add3A_162 : vector<16xi32>
        %gather3A_164 = tpu.vector_load_idx %arg8[%add3A_80, %add3A_163] : memref<640x128xf32, #tpu.memory_space<vmem>>[vector<16xi32>, vector<16xi32>], vector<16xf32>,
        %add3A_165 = arith.constant 8 : i32
        %add3A_166 = vector.broadcast %add3A_165 : i32 to vector<16xi32>
        %add3A_167 = arith.addi %add3A_98, %add3A_166 : vector<16xi32>
        tpu.vector_store_idx %arg9[%add3A_167, %sub3A_105], %gather3A_164 : memref<960x32xf32, #tpu.memory_space<vmem>>[vector<16xi32>, vector<16xi32>], vector<16xf32>,
        %add3A_168 = arith.constant 9 : i32
        %add3A_169 = vector.broadcast %add3A_168 : i32 to vector<16xi32>
        %add3A_170 = arith.addi %shift_left3A_89, %add3A_169 : vector<16xi32>
        %gather3A_171 = tpu.vector_load_idx %arg8[%add3A_80, %add3A_170] : memref<640x128xf32, #tpu.memory_space<vmem>>[vector<16xi32>, vector<16xi32>], vector<16xf32>,
        %add3A_172 = arith.constant 9 : i32
        %add3A_173 = vector.broadcast %add3A_172 : i32 to vector<16xi32>
        %add3A_174 = arith.addi %add3A_98, %add3A_173 : vector<16xi32>
        tpu.vector_store_idx %arg9[%add3A_174, %sub3A_105], %gather3A_171 : memref<960x32xf32, #tpu.memory_space<vmem>>[vector<16xi32>, vector<16xi32>], vector<16xf32>,
        %add3A_175 = arith.constant 10 : i32
        %add3A_176 = vector.broadcast %add3A_175 : i32 to vector<16xi32>
        %add3A_177 = arith.addi %shift_left3A_89, %add3A_176 : vector<16xi32>
        %gather3A_178 = tpu.vector_load_idx %arg8[%add3A_80, %add3A_177] : memref<640x128xf32, #tpu.memory_space<vmem>>[vector<16xi32>, vector<16xi32>], vector<16xf32>,
        %add3A_179 = arith.constant 10 : i32
        %add3A_180 = vector.broadcast %add3A_179 : i32 to vector<16xi32>
        %add3A_181 = arith.addi %add3A_98, %add3A_180 : vector<16xi32>
        tpu.vector_store_idx %arg9[%add3A_181, %sub3A_105], %gather3A_178 : memref<960x32xf32, #tpu.memory_space<vmem>>[vector<16xi32>, vector<16xi32>], vector<16xf32>,
        %add3A_182 = arith.constant 11 : i32
        %add3A_183 = vector.broadcast %add3A_182 : i32 to vector<16xi32>
        %add3A_184 = arith.addi %shift_left3A_89, %add3A_183 : vector<16xi32>
        %gather3A_185 = tpu.vector_load_idx %arg8[%add3A_80, %add3A_184] : memref<640x128xf32, #tpu.memory_space<vmem>>[vector<16xi32>, vector<16xi32>], vector<16xf32>,
        %add3A_186 = arith.constant 11 : i32
        %add3A_187 = vector.broadcast %add3A_186 : i32 to vector<16xi32>
        %add3A_188 = arith.addi %add3A_98, %add3A_187 : vector<16xi32>
        tpu.vector_store_idx %arg9[%add3A_188, %sub3A_105], %gather3A_185 : memref<960x32xf32, #tpu.memory_space<vmem>>[vector<16xi32>, vector<16xi32>], vector<16xf32>,
        %add3A_189 = arith.constant 12 : i32
        %add3A_190 = vector.broadcast %add3A_189 : i32 to vector<16xi32>
        %add3A_191 = arith.addi %shift_left3A_89, %add3A_190 : vector<16xi32>
        %gather3A_192 = tpu.vector_load_idx %arg8[%add3A_80, %add3A_191] : memref<640x128xf32, #tpu.memory_space<vmem>>[vector<16xi32>, vector<16xi32>], vector<16xf32>,
        %add3A_193 = arith.constant 12 : i32
        %add3A_194 = vector.broadcast %add3A_193 : i32 to vector<16xi32>
        %add3A_195 = arith.addi %add3A_98, %add3A_194 : vector<16xi32>
        tpu.vector_store_idx %arg9[%add3A_195, %sub3A_105], %gather3A_192 : memref<960x32xf32, #tpu.memory_space<vmem>>[vector<16xi32>, vector<16xi32>], vector<16xf32>,
        %add3A_196 = arith.constant 13 : i32
        %add3A_197 = vector.broadcast %add3A_196 : i32 to vector<16xi32>
        %add3A_198 = arith.addi %shift_left3A_89, %add3A_197 : vector<16xi32>
        %gather3A_199 = tpu.vector_load_idx %arg8[%add3A_80, %add3A_198] : memref<640x128xf32, #tpu.memory_space<vmem>>[vector<16xi32>, vector<16xi32>], vector<16xf32>,
        %add3A_200 = arith.constant 13 : i32
        %add3A_201 = vector.broadcast %add3A_200 : i32 to vector<16xi32>
        %add3A_202 = arith.addi %add3A_98, %add3A_201 : vector<16xi32>
        tpu.vector_store_idx %arg9[%add3A_202, %sub3A_105], %gather3A_199 : memref<960x32xf32, #tpu.memory_space<vmem>>[vector<16xi32>, vector<16xi32>], vector<16xf32>,
        %add3A_203 = arith.constant 14 : i32
        %add3A_204 = vector.broadcast %add3A_203 : i32 to vector<16xi32>
        %add3A_205 = arith.addi %shift_left3A_89, %add3A_204 : vector<16xi32>
        %gather3A_206 = tpu.vector_load_idx %arg8[%add3A_80, %add3A_205] : memref<640x128xf32, #tpu.memory_space<vmem>>[vector<16xi32>, vector<16xi32>], vector<16xf32>,
        %add3A_207 = arith.constant 14 : i32
        %add3A_208 = vector.broadcast %add3A_207 : i32 to vector<16xi32>
        %add3A_209 = arith.addi %add3A_98, %add3A_208 : vector<16xi32>
        tpu.vector_store_idx %arg9[%add3A_209, %sub3A_105], %gather3A_206 : memref<960x32xf32, #tpu.memory_space<vmem>>[vector<16xi32>, vector<16xi32>], vector<16xf32>,
        %add3A_210 = arith.constant 15 : i32
        %add3A_211 = vector.broadcast %add3A_210 : i32 to vector<16xi32>
        %add3A_212 = arith.addi %shift_left3A_89, %add3A_211 : vector<16xi32>
        %gather3A_213 = tpu.vector_load_idx %arg8[%add3A_80, %add3A_212] : memref<640x128xf32, #tpu.memory_space<vmem>>[vector<16xi32>, vector<16xi32>], vector<16xf32>,
        %add3A_214 = arith.constant 15 : i32
        %add3A_215 = vector.broadcast %add3A_214 : i32 to vector<16xi32>
        %add3A_216 = arith.addi %add3A_98, %add3A_215 : vector<16xi32>
        tpu.vector_store_idx %arg9[%add3A_216, %sub3A_105], %gather3A_213 : memref<960x32xf32, #tpu.memory_space<vmem>>[vector<16xi32>, vector<16xi32>], vector<16xf32>,
        %scan3A_217 = arith.constant 0 : i32
        scf.yield %scan3A_217 : i32
      }
      %scan3A_53 = arith.constant 40 : i32
      %scan3A_54 = arith.constant 0 : i32
      %scan3A_55 = arith.constant 0 : i32
      %scan3A_56 = arith.constant 40 : i32
      %scan3A_57 = arith.addi %scan3A_55, %scan3A_56 : i32
      %scan3A_58 = arith.constant 1 : i32
      %scan3A_59 = scf.for %scan3A_75 = %scan3A_55 to %scan3A_57 step %scan3A_58 iter_args(%scan3A_76 = %scan3A_54) -> (i32)  : i32 {
        %mul3A_77 = arith.constant 16 : i32
        %mul3A_78 = arith.muli %scan3A_75, %mul3A_77 : i32
        %get3A = arith.constant 2 : i32
        %get3A_79 = arith.index_cast %get3A : i32 to index
        %get3A_80 = arith.index_cast %mul3A_78 : i32 to index
        %get3A_81 = tpu.vector_load %arg6[%get3A_79, %get3A_80] {strides = array<i32>} : memref<5x640xi32, #tpu.memory_space<vmem>>, vector<16xi32>,
        %shift_right_arithmetic3A = arith.constant 3 : i32
        %shift_right_arithmetic3A_82 = vector.broadcast %shift_right_arithmetic3A : i32 to vector<16xi32>
        %shift_right_arithmetic3A_83 = arith.shrsi %get3A_81, %shift_right_arithmetic3A_82 : vector<16xi32>
        %mul3A_84 = arith.constant 16 : i32
        %mul3A_85 = arith.muli %scan3A_75, %mul3A_84 : i32
        %swap3A = arith.index_cast %mul3A_85 : i32 to index
        %swap3A_86 = tpu.vector_load %arg7[%swap3A] {strides = array<i32>} : memref<640xi32, #tpu.memory_space<vmem>>, vector<16xi32>,
        tpu.vector_store %arg7[%swap3A], %shift_right_arithmetic3A_83 {strides = array<i32>} : memref<640xi32, #tpu.memory_space<vmem>>, vector<16xi32>,
        %scan3A_87 = arith.constant 0 : i32
        scf.yield %scan3A_87 : i32
      }
      %scan3A_60 = arith.constant 40 : i32
      %dma_start3A_61 = arith.constant 0 : i32
      %dma_start3A_62 = arith.constant 0 : i32
      %dma_start3A_63 = tpu.memref_slice %arg4[%dma_start3A_61, %dma_start3A_62] : memref<12504x128xf32, #tpu.memory_space<hbm>> -> memref<12504x128xf32, #tpu.memory_space<hbm>>
      tpu.enqueue_indirect_dma source(%dma_start3A_63 : memref<12504x128xf32, #tpu.memory_space<hbm>>) target(%arg8 : memref<640x128xf32, #tpu.memory_space<vmem>>) offsets(%arg7 : memref<640xi32, #tpu.memory_space<vmem>>) semaphore(%arg10 : memref<!tpu.dma_semaphore, #tpu.memory_space<semaphore_mem>>)
      %dma_wait3A_64 = arith.constant 0 : i32
      %dma_wait3A_65 = arith.constant 0 : i32
      %dma_wait3A_66 = tpu.memref_slice %arg4[%dma_wait3A_64, %dma_wait3A_65] : memref<12504x128xf32, #tpu.memory_space<hbm>> -> memref<12504x128xf32, #tpu.memory_space<hbm>>
      tpu.wait_indirect_dma semaphore(%arg10 : memref<!tpu.dma_semaphore, #tpu.memory_space<semaphore_mem>>) src(%dma_wait3A_66 : memref<12504x128xf32, #tpu.memory_space<hbm>>) dst(%arg8 : memref<640x128xf32, #tpu.memory_space<vmem>>)
      %scan3A_67 = arith.constant 0 : i32
      %scan3A_68 = arith.constant 0 : i32
      %scan3A_69 = arith.constant 40 : i32
      %scan3A_70 = arith.addi %scan3A_68, %scan3A_69 : i32
      %scan3A_71 = arith.constant 1 : i32
      %scan3A_72 = scf.for %scan3A_75 = %scan3A_68 to %scan3A_70 step %scan3A_71 iter_args(%scan3A_76 = %scan3A_67) -> (i32)  : i32 {
        %iota3A = tpu.iota {dimensions = array<i32: 0>} : vector<16xi32>
        %mul3A_77 = arith.constant 16 : i32
        %mul3A_78 = arith.muli %scan3A_75, %mul3A_77 : i32
        %add3A_79 = vector.broadcast %mul3A_78 : i32 to vector<16xi32>
        %add3A_80 = arith.addi %iota3A, %add3A_79 : vector<16xi32>
        %mul3A_81 = arith.constant 16 : i32
        %mul3A_82 = arith.muli %scan3A_75, %mul3A_81 : i32
        %get3A = arith.constant 2 : i32
        %get3A_83 = arith.index_cast %get3A : i32 to index
        %get3A_84 = arith.index_cast %mul3A_82 : i32 to index
        %get3A_85 = tpu.vector_load %arg6[%get3A_83, %get3A_84] {strides = array<i32>} : memref<5x640xi32, #tpu.memory_space<vmem>>, vector<16xi32>,
        %and3A = arith.constant 7 : i32
        %and3A_86 = vector.broadcast %and3A : i32 to vector<16xi32>
        %and3A_87 = arith.andi %get3A_85, %and3A_86 : vector<16xi32>
        %shift_left3A = arith.constant 4 : i32
        %shift_left3A_88 = vector.broadcast %shift_left3A : i32 to vector<16xi32>
        %shift_left3A_89 = arith.shli %and3A_87, %shift_left3A_88 : vector<16xi32>
        %mul3A_90 = arith.constant 16 : i32
        %mul3A_91 = arith.muli %scan3A_75, %mul3A_90 : i32
        %get3A_92 = arith.constant 3 : i32
        %get3A_93 = arith.index_cast %get3A_92 : i32 to index
        %get3A_94 = arith.index_cast %mul3A_91 : i32 to index
        %get3A_95 = tpu.vector_load %arg6[%get3A_93, %get3A_94] {strides = array<i32>} : memref<5x640xi32, #tpu.memory_space<vmem>>, vector<16xi32>,
        %add3A_96 = arith.constant 32 : i32
        %add3A_97 = vector.broadcast %add3A_96 : i32 to vector<16xi32>
        %add3A_98 = arith.addi %get3A_95, %add3A_97 : vector<16xi32>
        %mul3A_99 = arith.constant 16 : i32
        %mul3A_100 = arith.muli %scan3A_75, %mul3A_99 : i32
        %get3A_101 = arith.constant 4 : i32
        %get3A_102 = arith.index_cast %get3A_101 : i32 to index
        %get3A_103 = arith.index_cast %mul3A_100 : i32 to index
        %get3A_104 = tpu.vector_load %arg6[%get3A_102, %get3A_103] {strides = array<i32>} : memref<5x640xi32, #tpu.memory_space<vmem>>, vector<16xi32>,
        %sub3A = vector.broadcast %add3A_13 : i32 to vector<16xi32>
        %sub3A_105 = arith.subi %get3A_104, %sub3A : vector<16xi32>
        %add3A_106 = arith.constant 0 : i32
        %add3A_107 = vector.broadcast %add3A_106 : i32 to vector<16xi32>
        %add3A_108 = arith.addi %shift_left3A_89, %add3A_107 : vector<16xi32>
        %gather3A = tpu.vector_load_idx %arg8[%add3A_80, %add3A_108] : memref<640x128xf32, #tpu.memory_space<vmem>>[vector<16xi32>, vector<16xi32>], vector<16xf32>,
        %add3A_109 = arith.constant 0 : i32
        %add3A_110 = vector.broadcast %add3A_109 : i32 to vector<16xi32>
        %add3A_111 = arith.addi %add3A_98, %add3A_110 : vector<16xi32>
        tpu.vector_store_idx %arg9[%add3A_111, %sub3A_105], %gather3A : memref<960x32xf32, #tpu.memory_space<vmem>>[vector<16xi32>, vector<16xi32>], vector<16xf32>,
        %add3A_112 = arith.constant 1 : i32
        %add3A_113 = vector.broadcast %add3A_112 : i32 to vector<16xi32>
        %add3A_114 = arith.addi %shift_left3A_89, %add3A_113 : vector<16xi32>
        %gather3A_115 = tpu.vector_load_idx %arg8[%add3A_80, %add3A_114] : memref<640x128xf32, #tpu.memory_space<vmem>>[vector<16xi32>, vector<16xi32>], vector<16xf32>,
        %add3A_116 = arith.constant 1 : i32
        %add3A_117 = vector.broadcast %add3A_116 : i32 to vector<16xi32>
        %add3A_118 = arith.addi %add3A_98, %add3A_117 : vector<16xi32>
        tpu.vector_store_idx %arg9[%add3A_118, %sub3A_105], %gather3A_115 : memref<960x32xf32, #tpu.memory_space<vmem>>[vector<16xi32>, vector<16xi32>], vector<16xf32>,
        %add3A_119 = arith.constant 2 : i32
        %add3A_120 = vector.broadcast %add3A_119 : i32 to vector<16xi32>
        %add3A_121 = arith.addi %shift_left3A_89, %add3A_120 : vector<16xi32>
        %gather3A_122 = tpu.vector_load_idx %arg8[%add3A_80, %add3A_121] : memref<640x128xf32, #tpu.memory_space<vmem>>[vector<16xi32>, vector<16xi32>], vector<16xf32>,
        %add3A_123 = arith.constant 2 : i32
        %add3A_124 = vector.broadcast %add3A_123 : i32 to vector<16xi32>
        %add3A_125 = arith.addi %add3A_98, %add3A_124 : vector<16xi32>
        tpu.vector_store_idx %arg9[%add3A_125, %sub3A_105], %gather3A_122 : memref<960x32xf32, #tpu.memory_space<vmem>>[vector<16xi32>, vector<16xi32>], vector<16xf32>,
        %add3A_126 = arith.constant 3 : i32
        %add3A_127 = vector.broadcast %add3A_126 : i32 to vector<16xi32>
        %add3A_128 = arith.addi %shift_left3A_89, %add3A_127 : vector<16xi32>
        %gather3A_129 = tpu.vector_load_idx %arg8[%add3A_80, %add3A_128] : memref<640x128xf32, #tpu.memory_space<vmem>>[vector<16xi32>, vector<16xi32>], vector<16xf32>,
        %add3A_130 = arith.constant 3 : i32
        %add3A_131 = vector.broadcast %add3A_130 : i32 to vector<16xi32>
        %add3A_132 = arith.addi %add3A_98, %add3A_131 : vector<16xi32>
        tpu.vector_store_idx %arg9[%add3A_132, %sub3A_105], %gather3A_129 : memref<960x32xf32, #tpu.memory_space<vmem>>[vector<16xi32>, vector<16xi32>], vector<16xf32>,
        %add3A_133 = arith.constant 4 : i32
        %add3A_134 = vector.broadcast %add3A_133 : i32 to vector<16xi32>
        %add3A_135 = arith.addi %shift_left3A_89, %add3A_134 : vector<16xi32>
        %gather3A_136 = tpu.vector_load_idx %arg8[%add3A_80, %add3A_135] : memref<640x128xf32, #tpu.memory_space<vmem>>[vector<16xi32>, vector<16xi32>], vector<16xf32>,
        %add3A_137 = arith.constant 4 : i32
        %add3A_138 = vector.broadcast %add3A_137 : i32 to vector<16xi32>
        %add3A_139 = arith.addi %add3A_98, %add3A_138 : vector<16xi32>
        tpu.vector_store_idx %arg9[%add3A_139, %sub3A_105], %gather3A_136 : memref<960x32xf32, #tpu.memory_space<vmem>>[vector<16xi32>, vector<16xi32>], vector<16xf32>,
        %add3A_140 = arith.constant 5 : i32
        %add3A_141 = vector.broadcast %add3A_140 : i32 to vector<16xi32>
        %add3A_142 = arith.addi %shift_left3A_89, %add3A_141 : vector<16xi32>
        %gather3A_143 = tpu.vector_load_idx %arg8[%add3A_80, %add3A_142] : memref<640x128xf32, #tpu.memory_space<vmem>>[vector<16xi32>, vector<16xi32>], vector<16xf32>,
        %add3A_144 = arith.constant 5 : i32
        %add3A_145 = vector.broadcast %add3A_144 : i32 to vector<16xi32>
        %add3A_146 = arith.addi %add3A_98, %add3A_145 : vector<16xi32>
        tpu.vector_store_idx %arg9[%add3A_146, %sub3A_105], %gather3A_143 : memref<960x32xf32, #tpu.memory_space<vmem>>[vector<16xi32>, vector<16xi32>], vector<16xf32>,
        %add3A_147 = arith.constant 6 : i32
        %add3A_148 = vector.broadcast %add3A_147 : i32 to vector<16xi32>
        %add3A_149 = arith.addi %shift_left3A_89, %add3A_148 : vector<16xi32>
        %gather3A_150 = tpu.vector_load_idx %arg8[%add3A_80, %add3A_149] : memref<640x128xf32, #tpu.memory_space<vmem>>[vector<16xi32>, vector<16xi32>], vector<16xf32>,
        %add3A_151 = arith.constant 6 : i32
        %add3A_152 = vector.broadcast %add3A_151 : i32 to vector<16xi32>
        %add3A_153 = arith.addi %add3A_98, %add3A_152 : vector<16xi32>
        tpu.vector_store_idx %arg9[%add3A_153, %sub3A_105], %gather3A_150 : memref<960x32xf32, #tpu.memory_space<vmem>>[vector<16xi32>, vector<16xi32>], vector<16xf32>,
        %add3A_154 = arith.constant 7 : i32
        %add3A_155 = vector.broadcast %add3A_154 : i32 to vector<16xi32>
        %add3A_156 = arith.addi %shift_left3A_89, %add3A_155 : vector<16xi32>
        %gather3A_157 = tpu.vector_load_idx %arg8[%add3A_80, %add3A_156] : memref<640x128xf32, #tpu.memory_space<vmem>>[vector<16xi32>, vector<16xi32>], vector<16xf32>,
        %add3A_158 = arith.constant 7 : i32
        %add3A_159 = vector.broadcast %add3A_158 : i32 to vector<16xi32>
        %add3A_160 = arith.addi %add3A_98, %add3A_159 : vector<16xi32>
        tpu.vector_store_idx %arg9[%add3A_160, %sub3A_105], %gather3A_157 : memref<960x32xf32, #tpu.memory_space<vmem>>[vector<16xi32>, vector<16xi32>], vector<16xf32>,
        %add3A_161 = arith.constant 8 : i32
        %add3A_162 = vector.broadcast %add3A_161 : i32 to vector<16xi32>
        %add3A_163 = arith.addi %shift_left3A_89, %add3A_162 : vector<16xi32>
        %gather3A_164 = tpu.vector_load_idx %arg8[%add3A_80, %add3A_163] : memref<640x128xf32, #tpu.memory_space<vmem>>[vector<16xi32>, vector<16xi32>], vector<16xf32>,
        %add3A_165 = arith.constant 8 : i32
        %add3A_166 = vector.broadcast %add3A_165 : i32 to vector<16xi32>
        %add3A_167 = arith.addi %add3A_98, %add3A_166 : vector<16xi32>
        tpu.vector_store_idx %arg9[%add3A_167, %sub3A_105], %gather3A_164 : memref<960x32xf32, #tpu.memory_space<vmem>>[vector<16xi32>, vector<16xi32>], vector<16xf32>,
        %add3A_168 = arith.constant 9 : i32
        %add3A_169 = vector.broadcast %add3A_168 : i32 to vector<16xi32>
        %add3A_170 = arith.addi %shift_left3A_89, %add3A_169 : vector<16xi32>
        %gather3A_171 = tpu.vector_load_idx %arg8[%add3A_80, %add3A_170] : memref<640x128xf32, #tpu.memory_space<vmem>>[vector<16xi32>, vector<16xi32>], vector<16xf32>,
        %add3A_172 = arith.constant 9 : i32
        %add3A_173 = vector.broadcast %add3A_172 : i32 to vector<16xi32>
        %add3A_174 = arith.addi %add3A_98, %add3A_173 : vector<16xi32>
        tpu.vector_store_idx %arg9[%add3A_174, %sub3A_105], %gather3A_171 : memref<960x32xf32, #tpu.memory_space<vmem>>[vector<16xi32>, vector<16xi32>], vector<16xf32>,
        %add3A_175 = arith.constant 10 : i32
        %add3A_176 = vector.broadcast %add3A_175 : i32 to vector<16xi32>
        %add3A_177 = arith.addi %shift_left3A_89, %add3A_176 : vector<16xi32>
        %gather3A_178 = tpu.vector_load_idx %arg8[%add3A_80, %add3A_177] : memref<640x128xf32, #tpu.memory_space<vmem>>[vector<16xi32>, vector<16xi32>], vector<16xf32>,
        %add3A_179 = arith.constant 10 : i32
        %add3A_180 = vector.broadcast %add3A_179 : i32 to vector<16xi32>
        %add3A_181 = arith.addi %add3A_98, %add3A_180 : vector<16xi32>
        tpu.vector_store_idx %arg9[%add3A_181, %sub3A_105], %gather3A_178 : memref<960x32xf32, #tpu.memory_space<vmem>>[vector<16xi32>, vector<16xi32>], vector<16xf32>,
        %add3A_182 = arith.constant 11 : i32
        %add3A_183 = vector.broadcast %add3A_182 : i32 to vector<16xi32>
        %add3A_184 = arith.addi %shift_left3A_89, %add3A_183 : vector<16xi32>
        %gather3A_185 = tpu.vector_load_idx %arg8[%add3A_80, %add3A_184] : memref<640x128xf32, #tpu.memory_space<vmem>>[vector<16xi32>, vector<16xi32>], vector<16xf32>,
        %add3A_186 = arith.constant 11 : i32
        %add3A_187 = vector.broadcast %add3A_186 : i32 to vector<16xi32>
        %add3A_188 = arith.addi %add3A_98, %add3A_187 : vector<16xi32>
        tpu.vector_store_idx %arg9[%add3A_188, %sub3A_105], %gather3A_185 : memref<960x32xf32, #tpu.memory_space<vmem>>[vector<16xi32>, vector<16xi32>], vector<16xf32>,
        %add3A_189 = arith.constant 12 : i32
        %add3A_190 = vector.broadcast %add3A_189 : i32 to vector<16xi32>
        %add3A_191 = arith.addi %shift_left3A_89, %add3A_190 : vector<16xi32>
        %gather3A_192 = tpu.vector_load_idx %arg8[%add3A_80, %add3A_191] : memref<640x128xf32, #tpu.memory_space<vmem>>[vector<16xi32>, vector<16xi32>], vector<16xf32>,
        %add3A_193 = arith.constant 12 : i32
        %add3A_194 = vector.broadcast %add3A_193 : i32 to vector<16xi32>
        %add3A_195 = arith.addi %add3A_98, %add3A_194 : vector<16xi32>
        tpu.vector_store_idx %arg9[%add3A_195, %sub3A_105], %gather3A_192 : memref<960x32xf32, #tpu.memory_space<vmem>>[vector<16xi32>, vector<16xi32>], vector<16xf32>,
        %add3A_196 = arith.constant 13 : i32
        %add3A_197 = vector.broadcast %add3A_196 : i32 to vector<16xi32>
        %add3A_198 = arith.addi %shift_left3A_89, %add3A_197 : vector<16xi32>
        %gather3A_199 = tpu.vector_load_idx %arg8[%add3A_80, %add3A_198] : memref<640x128xf32, #tpu.memory_space<vmem>>[vector<16xi32>, vector<16xi32>], vector<16xf32>,
        %add3A_200 = arith.constant 13 : i32
        %add3A_201 = vector.broadcast %add3A_200 : i32 to vector<16xi32>
        %add3A_202 = arith.addi %add3A_98, %add3A_201 : vector<16xi32>
        tpu.vector_store_idx %arg9[%add3A_202, %sub3A_105], %gather3A_199 : memref<960x32xf32, #tpu.memory_space<vmem>>[vector<16xi32>, vector<16xi32>], vector<16xf32>,
        %add3A_203 = arith.constant 14 : i32
        %add3A_204 = vector.broadcast %add3A_203 : i32 to vector<16xi32>
        %add3A_205 = arith.addi %shift_left3A_89, %add3A_204 : vector<16xi32>
        %gather3A_206 = tpu.vector_load_idx %arg8[%add3A_80, %add3A_205] : memref<640x128xf32, #tpu.memory_space<vmem>>[vector<16xi32>, vector<16xi32>], vector<16xf32>,
        %add3A_207 = arith.constant 14 : i32
        %add3A_208 = vector.broadcast %add3A_207 : i32 to vector<16xi32>
        %add3A_209 = arith.addi %add3A_98, %add3A_208 : vector<16xi32>
        tpu.vector_store_idx %arg9[%add3A_209, %sub3A_105], %gather3A_206 : memref<960x32xf32, #tpu.memory_space<vmem>>[vector<16xi32>, vector<16xi32>], vector<16xf32>,
        %add3A_210 = arith.constant 15 : i32
        %add3A_211 = vector.broadcast %add3A_210 : i32 to vector<16xi32>
        %add3A_212 = arith.addi %shift_left3A_89, %add3A_211 : vector<16xi32>
        %gather3A_213 = tpu.vector_load_idx %arg8[%add3A_80, %add3A_212] : memref<640x128xf32, #tpu.memory_space<vmem>>[vector<16xi32>, vector<16xi32>], vector<16xf32>,
        %add3A_214 = arith.constant 15 : i32
        %add3A_215 = vector.broadcast %add3A_214 : i32 to vector<16xi32>
        %add3A_216 = arith.addi %add3A_98, %add3A_215 : vector<16xi32>
        tpu.vector_store_idx %arg9[%add3A_216, %sub3A_105], %gather3A_213 : memref<960x32xf32, #tpu.memory_space<vmem>>[vector<16xi32>, vector<16xi32>], vector<16xf32>,
        %scan3A_217 = arith.constant 0 : i32
        scf.yield %scan3A_217 : i32
      }
      %scan3A_73 = arith.constant 40 : i32
      "tpu.region"() ({
        %run_scoped3A = tpu.sem_alloc : memref<!tpu.dma_semaphore, #tpu.memory_space<semaphore_mem>>
        %dma_start3A_75 = arith.constant 0 : i32
        %dma_start3A_76 = tpu.memref_slice %arg5[%dma_start3A_75, %add3A_13] : memref<960x4096xf32, #tpu.memory_space<hbm>> -> memref<960x32xf32, #tpu.memory_space<hbm>>
        %dma_start3A_77 = arith.constant 0 : i32
        %dma_start3A_78 = tpu.memref_slice %arg5[%dma_start3A_77, %add3A_13] : memref<960x4096xf32, #tpu.memory_space<hbm>> -> memref<960x32xf32, #tpu.memory_space<hbm>>
        tpu.enqueue_dma source(%arg9 : memref<960x32xf32, #tpu.memory_space<vmem>>) target(%dma_start3A_78 : memref<960x32xf32, #tpu.memory_space<hbm>>) target_semaphore(%run_scoped3A : memref<!tpu.dma_semaphore, #tpu.memory_space<semaphore_mem>>)
        %dma_wait3A_79 = arith.constant 0 : i32
        %dma_wait3A_80 = tpu.memref_slice %arg5[%dma_wait3A_79, %add3A_13] : memref<960x4096xf32, #tpu.memory_space<hbm>> -> memref<960x32xf32, #tpu.memory_space<hbm>>
        %dma_wait3A_81 = arith.constant 0 : i32
        %dma_wait3A_82 = tpu.memref_slice %arg5[%dma_wait3A_81, %add3A_13] : memref<960x4096xf32, #tpu.memory_space<hbm>> -> memref<960x32xf32, #tpu.memory_space<hbm>>
        tpu.wait_dma2 semaphore(%run_scoped3A : memref<!tpu.dma_semaphore, #tpu.memory_space<semaphore_mem>>) src(%arg9 : memref<960x32xf32, #tpu.memory_space<vmem>>) dst(%dma_wait3A_82 : memref<960x32xf32, #tpu.memory_space<hbm>>)
        tpu.yield
      }) : () -> ()
      %scan3A_74 = arith.constant 0 : i32
      scf.yield %scan3A_74 : i32
    }
    %scan3A_6 = arith.constant 4 : i32
    return
  }
}

</mosaic_0001>

<sc_bundles>
// kernel: kernel.4.cloned.1.call-start
scs
__scs_entry_jumppad:
0x0: {  	(pc) =	sbr.rel $0x88, $3  }
0x1: {  	(tag) =	ssettag $0x0;
	lr =	simm.s32 $0x1  }
0x2: {  	[smem:$0x3F9C] =	sst lr;
	_ =	strace $0xD0000000  }
0x3: {  	_ = 	snop  }
0x4: {  	_ = 	snop  }
0x5: {  	_ = 	snop  }
0x6: {  	_ = 	snop  }
0x7: {  	_ = 	snop  }
__scs_overlays_trampoline_lowered:
0x8: {  	[smem:$0x3FAB] =	sst s0  }
0x9: {  	[smem:$0x3FAC] =	sst s1  }
0xa: {  	[smem:$0x3FAD] =	sst s2  }
0xb: {  	[smem:$0x3FAE] =	sst s3  }
0xc: {  	[smem:$0x3FAF] =	sst s4  }
0xd: {  	[smem:$0x3FB0] =	sst s5  }
0xe: {  	[smem:$0x3FB1] =	sst s6  }
0xf: {  	[smem:$0x3FB2] =	sst s7  }
0x10: {  	[smem:$0x3FB3] =	sst s8  }
0x11: {  	[smem:$0x3FB4] =	sst s9;
	s0 =	simm.s32 @!p0 $0x0  }
0x12: {  	s1 =	sld [smem:$0x3F9A];
	s0 =	simm.s32 @p0 $0x1  }
0x13: {  	[smem:$0x3FB5] =	sst s0;
	s0 =	simm.s32 @!p1 $0x0  }
0x14: {  	s2 =	sld [smem:$0x3F99];
	s0 =	simm.s32 @p1 $0x1  }
0x15: {  	[smem:$0x3FB6] =	sst s0;
	s0 =	simm.s32 @!p2 $0x0  }
0x16: {  	s3 =	sld [smem:$0x3FDB];
	s0 =	simm.s32 @p2 $0x1  }
0x17: {  	s4 =	simm.s32 $0x1BF5;
	[smem:$0x3FB8] =	sst s0  }
0x18: {  	s0 =	sld [smem:$0x3F9B];
	_ =	swait.ge [sflag:s4], $0x0  }
0x19: {  	s7 =	sld [smem:$0x3F9C]  }
0x1a: {  	s8 =	sadd.s32 $0xFFFFE003, lr  }
0x1b: {  	s9 =	sadd.s32 $0xFFFFFEF7, lr;
	s5 =	simm.s32 $0xFFFFFFFF;
	p2 =	slt.u32 s8, $0xFFFFF086  }
0x1c: {  	p1 =	slt.u32 s9, $0xF7A;
	s5 =	simm.s32 @!p2 $0x0  }
0x1d: {  	s5 =	simm.s32 @p1 $0x1;
	p0 =	seq.s32 s7, s2  }
0x1e: {  	s7 =	smul.u32 @!p0 $0xF7A, s2;
	p2 =	seq.s32 @!p0 s5, $0x0  }
0x1f: {  	s9 =	smul.u32 $0xF7A, s1;
	s8 =	simm.s32 @!p0 $0x1BF5;
	p2 =	por !p2, p0  }
0x20: {  	[sflag:s8] =	ssyncset.s32 @!p0 $0xFFFFF086;
	s6 =	sadd.s32 @!p0 s3, s7;
	s7 =	simm.s32 @!p0 $0x108  }
0x21: {  	s3 =	sadd.s32 s3, s9;
	s6 =	sadd.s32 @!p0 $0x88, s6;
	s7 =	simm.s32 @p2 $0x1082  }
0x22: {  	[simem:s7], [sflag:s8] =	dma.local @!p0 [hbm:s6], $0xF7A  }
0x23: {  	s9 =	sor.u32 $0xD0000000, s2;
	s6 =	simm.s32 $0x108;
	_ =	swait.ge @!p0 [sflag:s8], $0x0  }
0x24: {  	s3 =	sadd.s32 $0x88, s3;
	s6 =	simm.s32 @!p1 $0x1082;
	[sflag:s4] =	ssyncset.s32 $0xFFFFF086  }
0x25: {  	[simem:s6], [sflag:s4] =	dma.local [hbm:s3], $0xF7A  }
0x26: {  	[smem:$0x3F9C] =	sst s1;
	(tag) =	ssettag s2;
	_ =	strace s9  }
0x27: {  	s1 =	sld [smem:$0x3FAC]  }
0x28: {  	s2 =	sld [smem:$0x3FAD]  }
0x29: {  	s4 =	sld [smem:$0x3FAF]  }
0x2a: {  	p0 =	seq.s32 s5, $0x0;
	s5 =	sld [smem:$0x3FB0]  }
0x2b: {  	s6 =	sld [smem:$0x3FB1]  }
0x2c: {  	s7 =	sld [smem:$0x3FB2]  }
0x2d: {  	s3 =	simm.s32 $0x108;
	s8 =	sld [smem:$0x3FB3]  }
0x2e: {  	s3 =	simm.s32 @!p0 $0x1082;
	s9 =	sld [smem:$0x3FB4]  }
0x2f: {  	lr =	sadd.s32 s0, s3;
	s0 =	sld [smem:$0x3FAB]  }
0x30: {  	s3 =	sld [smem:$0x3FAE]  }
0x31: {  	[smem:$0x3FB7] =	sst s10  }
0x32: {  	s10 =	sld [smem:$0x3FB5];
	_ =	sdelay $0x3  }
0x33: {  	p0 =	seq.s32 s10, $0x1;
	s10 =	sld [smem:$0x3FB7];
	_ =	sdelay $0x3  }
0x34: {  	[smem:$0x3FB7] =	sst s10  }
0x35: {  	s10 =	sld [smem:$0x3FB6];
	_ =	sdelay $0x3  }
0x36: {  	p1 =	seq.s32 s10, $0x1;
	s10 =	sld [smem:$0x3FB7];
	_ =	sdelay $0x3  }
0x37: {  	[smem:$0x3FB7] =	sst s10  }
0x38: {  	s10 =	sld [smem:$0x3FB8]  }
0x39: {  	_ = 	snop;
	(pc) =	sbr.ind lr, $3  }
0x3a: {  	_ = 	snop  }
0x3b: {  	_ = 	snop  }
0x3c: {  	p2 =	seq.s32 s10, $0x1;
	s10 =	sld [smem:$0x3FB7]  }
0x3d: {  	_ =	shalt  }
0x3e: {  	_ =	shalt  }
0x3f: {  	_ =	shalt  }
0x40: {  	_ =	shalt  }
0x41: {  	_ =	shalt  }
0x42: {  	_ =	shalt  }
0x43: {  	_ =	shalt  }
0x44: {  	_ =	shalt  }
0x45: {  	_ =	shalt  }
0x46: {  	_ =	shalt  }
0x47: {  	_ =	shalt  }
0x48: {  	_ =	shalt  }
0x49: {  	_ =	shalt  }
0x4a: {  	_ =	shalt  }
0x4b: {  	_ =	shalt  }
0x4c: {  	_ =	shalt  }
0x4d: {  	_ =	shalt  }
0x4e: {  	_ =	shalt  }
0x4f: {  	_ =	shalt  }
0x50: {  	_ =	shalt  }
0x51: {  	_ =	shalt  }
0x52: {  	_ =	shalt  }
0x53: {  	_ =	shalt  }
0x54: {  	_ =	shalt  }
0x55: {  	_ =	shalt  }
0x56: {  	_ =	shalt  }
0x57: {  	_ =	shalt  }
0x58: {  	_ =	shalt  }
0x59: {  	_ =	shalt  }
0x5a: {  	_ =	shalt  }
0x5b: {  	_ =	shalt  }
0x5c: {  	_ =	shalt  }
0x5d: {  	_ =	shalt  }
0x5e: {  	_ =	shalt  }
0x5f: {  	_ =	shalt  }
0x60: {  	_ =	shalt  }
0x61: {  	_ =	shalt  }
0x62: {  	_ =	shalt  }
0x63: {  	_ =	shalt  }
0x64: {  	_ =	shalt  }
0x65: {  	_ =	shalt  }
0x66: {  	_ =	shalt  }
0x67: {  	_ =	shalt  }
0x68: {  	_ =	shalt  }
0x69: {  	_ =	shalt  }
0x6a: {  	_ =	shalt  }
0x6b: {  	_ =	shalt  }
0x6c: {  	_ =	shalt  }
0x6d: {  	_ =	shalt  }
0x6e: {  	_ =	shalt  }
0x6f: {  	_ =	shalt  }
0x70: {  	_ =	shalt  }
0x71: {  	_ =	shalt  }
0x72: {  	_ =	shalt  }
0x73: {  	_ =	shalt  }
0x74: {  	_ =	shalt  }
0x75: {  	_ =	shalt  }
0x76: {  	_ =	shalt  }
0x77: {  	_ =	shalt  }
0x78: {  	_ =	shalt  }
0x79: {  	_ =	shalt  }
0x7a: {  	_ =	shalt  }
0x7b: {  	_ =	shalt  }
0x7c: {  	_ =	shalt  }
0x7d: {  	_ =	shalt  }
0x7e: {  	_ =	shalt  }
0x7f: {  	_ =	shalt  }
0x80: {  	_ =	shalt  }
0x81: {  	_ =	shalt  }
0x82: {  	_ =	shalt  }
0x83: {  	_ =	shalt  }
0x84: {  	_ =	shalt  }
0x85: {  	_ =	shalt  }
0x86: {  	_ =	shalt  }
0x87: {  	_ =	shalt  }
.Lfunc_end0:
.L_simem_size_0:
called_computation_lowered:
.L_overlay_start_0:
0x88: {  	s2 =	sld [smem:$0x3FD9]  }
0x89: {  	s3 =	sld [smem:$0x3FFE];
	_ =	sdelay $0x1  }
0x8a: {  	s1 =	srdreg.scid  }
0x8b: {  	s0 =	sand.u32 $0x1, s1  }
0x8c: {  	s14 =	sshll.u32 s0, $0xA;
	s2 =	sadd.s32 s3, s2  }
0x8d: {  	s2 =	sadd.s32 s2, s14  }
0x8e: {  	[smem:$0x3FC3] =	sst s2  }
0x8f: {  	_ = 	snop  }
0x90: {  	s2 =	sld [smem:$0x3FD0];
	_ =	sdelay $0x1  }
0x91: {  	s15 =	sld [smem:$0x3FC6]  }
0x92: {  	s5 =	simm.s32 $0xA;
	s6 =	simm.s32 $0x10;
	s4 =	sld [smem:$0x3FC5]  }
0x93: {  	[smem:s6], [sflag:s5] =	dma.local [hbm:s2], $0x1  }
0x94: {  	_ =	swait.eq [sflag:s5], $0x1  }
0x95: {  	[sflag:s5] =	ssyncset.done $0x0  }
0x96: {  	s16 =	sld [smem:$0x10];
	[sflag:s5] =	ssyncadd.s32 $0xFFFFFFFF  }
0x97: {  	s17 =	sld [smem:$0x11];
	(tm) =	ssettm $0x1  }
0x98: {  	s18 =	sld [smem:$0x3FFB];
	_ =	sdelay $0x3  }
0x99: {  	_ =	strace s18  }
0x9a: {  	s6 =	sld [smem:$0x3FFC];
	_ =	sdelay $0x3  }
0x9b: {  	_ =	strace s6  }
0x9c: {  	s6 =	sld [smem:$0x3FFD];
	_ =	sdelay $0x3  }
0x9d: {  	_ =	strace s6  }
0x9e: {  	_ =	strace $0x8FFFFFFF  }
0x9f: {  	s19 =	sld [smem:$0x3FDB];
	_ =	sdelay $0x1  }
0xa0: {  	s7 =	simm.s32 $_scs_section_size  }
0xa1: {  	s8 =	simm.s32 $_size__tile_overlayer_lowered;
	s9 =	simm.s32 $_tile_overlayer_lowered  }
0xa2: {  	s22 =	simm.s32 $0x1BFF;
	s21 =	sshll.u32 s9, $0x1;
	s6 =	sadd.s32 s7, s19  }
0xa3: {  	s10 =	simm.s32 $0x0;
	s20 =	sshll.u32 s8, $0x1;
	s8 =	sadd.s32 s21, s6  }
0xa4: {  	[timem:s10], [sflag:s22] =	dma.local [hbm:s8], s20  }
0xa5: {  	_ =	swait.ge [sflag:s22], s20  }
0xa6: {  	s7 =	ssub.s32 $0x0, s20;
	[sflag:s22] =	ssyncset.done $0x0  }
0xa7: {  	[sflag:s22] =	ssyncadd.s32 s7;
	_ =	sdelay $0x1  }
0xa8: {  	s23 =	simm.s32 $0x1B8B  }
0xa9: {  	_ =	swait.ge [sflag:s23], $0x1  }
0xaa: {  	[sflag:s23] =	ssyncset.done $0x0  }
0xab: {  	s25 =	simm.s32 $0x1B8E;
	s24 =	sld [smem:$0x3FFE];
	[sflag:s23] =	ssyncadd.s32 $0xFFFFFFFF  }
0xac: {  	s26 =	simm.s32 $execute0_lowered;
	[smem:$0x3FD2] =	sst s25  }
0xad: {  	s8 =	sshll.u32 s26, $0x1;
	_ =	strace $0x80000046;
	[dreg:$0x1] =	wrdreg $0xFFFFFFFF  }
0xae: {  	s28 =	simm.s32 $_size_execute0_lowered;
	s6 =	sadd.s32 s6, s8;
	[dreg:$0x0] =	wrdreg $0x0  }
0xaf: {  	s8 =	sshll.u32 s28, $0x1;
	[dreg:$0x2] =	wrdreg s6  }
0xb0: {  	[dreg:$0x3] =	wrdreg s8  }
0xb1: {  	[dreg:$0x4] =	wrdreg $0xC0  }
0xb2: {  	_ =	task [dreg:s10], $0x5FFFF  }
0xb3: {  	[dreg:$0x1] =	wrdreg $0xFFFFFFFF  }
0xb4: {  	[dreg:$0x0] =	wrdreg $0x60  }
0xb5: {  	[dreg:$0x2] =	wrdreg s15  }
0xb6: {  	[dreg:$0x3] =	wrdreg s4  }
0xb7: {  	[dreg:$0x4] =	wrdreg s24  }
0xb8: {  	[dreg:$0x5] =	wrdreg s17  }
0xb9: {  	[dreg:$0x6] =	wrdreg s16  }
0xba: {  	[dreg:$0x7] =	wrdreg $0x9  }
0xbb: {  	_ =	task.clear_ibuf [dreg:s10], $0x8FFFF;
	_ =	strace $0x90000046  }
0xbc: {  	s29 =	simm.s32 $0x9;
	_ =	strace $0x80000048  }
0xbd: {  	_ =	swait.ge [sflag:s29], $0x1  }
0xbe: {  	[sflag:s29] =	ssyncadd.s32 $0xFFFFFFFF  }
0xbf: {  	_ =	strace $0x90000048  }
0xc0: {  	_ =	sfence  }
0xc1: {  	s30 =	sld [smem:$0x0];
	_ =	sdelay $0x2  }
0xc2: {  	s31 =	sshll.u32 s1, $0xD;
	s1 =	sshrl.u32 s1, $0x2  }
0xc3: {  	s3 =	sand.u32 $0x4000, s31;
	s1 =	sadd.s32 s1, s30  }
0xc4: {  	s0 =	sor.u32 s3, s0;
	s1 =	sshll.u32 s1, $0x11  }
0xc5: {  	s0 =	sor.u32 s1, s0  }
0xc6: {  	s0 =	sadd.s32 $0x8F2B, s0  }
0xc7: {  	[sflag:s0] =	ssyncadd.remote.s32 $0x1  }
0xc8: {  	_ =	sfence.sel $0xFFFF  }
0xc9: {  	[dreg:$0x0] =	wrdreg $0xFFFFFFFF;
	(pc) =	sbr.abs _section_cstart, $3  }
0xca: {  	[dreg:$0x1] =	wrdreg $0xFFFFFFFF  }
0xcb: {  	_ =	task.clear_ibuf [dreg:s10], $0x2FFFF;
	_ =	strace $0x9FFFFFFF  }
0xcc: {  	(tm) =	ssettm $0x7FFFFFFF  }
0xcd: {  	_ =	shalt  }
tec
execute0_lowered:
.L_overlay_start_1:
0x0: {  	(tag) =	ssettag $0x1  }
0x1: {  	s1 =	rddreg [dreg:$0x0]  }
0x2: {  	s2 =	rddreg [dreg:$0x1]  }
0x3: {  	s11 =	rddreg [dreg:$0x2]  }
0x4: {  	s3 =	rddreg [dreg:$0x3]  }
0x5: {  	s4 =	rddreg [dreg:$0x4]  }
0x6: {  	s0 =	rddreg [dreg:$0x5]  }
0x7: {  	s5 =	simm.s32 $0x0;
	s6 =	srdreg.scid;
	v0 =	vlaneseq.u32;
	s14 =	simm.s32 $0x7A1400  }
0x8: {  	s15 =	simm.s32 $0x2;
	s16 =	simm.s32 $0x8000;
	s17 =	simm.s32 $0xC3800;
	v1 =	vand.u32 $0x7, v0  }
0x9: {  	s18 =	simm.s32 $0x1;
	s19 =	simm.s32 $0x0;
	[smem:$0x7FF] =	sst s5;
	v2 =	vshrl.u32 v0, $0x3;
	v0 =	vmul.u32 $0x10, v1  }
0xa: {  	s9 =	sand.u32 $0x1, s6;
	s7 =	sadd.s32 $0x1600, s11;
	s6 =	stileid.u32;
	v1 =	vmul.u32 $0x80, v2  }
.Ltmp0:
0xb: {  	s8 =	sadd.s32 $0x1C00, s11;
	s13 =	sshll.u32 s6, $0x1;
	v2 =	vor.u32 $0x1, v0;
	v3 =	vor.u32 $0x2, v0;
	v4 =	vor.u32 $0x3, v0;
	(pc) =	sbr.rel .LBB2_1-.Ltmp0, $4  }
0xc: {  	s11 =	sadd.s32 $0x1E9C00, s11;
	s10 =	ssub.s32 $0x2, s9;
	s9 =	sor.u32 s9, s13;
	v5 =	vor.u32 $0x4, v0;
	v6 =	vor.u32 $0x5, v0;
	v7 =	vor.u32 $0x6, v0  }
0xd: {  	_ =	strace $0x80000047;
	s12 =	sshrl.u32 s10, $0x1;
	v8 =	vor.u32 $0x7, v0;
	v9 =	vor.u32 $0x8, v0;
	v10 =	vor.u32 $0x9, v0;
	p0 =	seq.s32 s9, $0x1  }
0xe: {  	s13 =	simm.s32 $0x4000;
	s12 =	ssub.s32 s10, s12;
	v11 =	vor.u32 $0xA, v0;
	v12 =	vor.u32 $0xB, v0;
	v13 =	vor.u32 $0xC, v0;
	p1 =	sne.s32 @!p0 s9, $0x0  }
0xf: {  	s10 =	sadd.s32 $0x30000, s4;
	v14 =	vor.u32 $0xD, v0;
	v15 =	vor.u32 $0xE, v0;
	v16 =	vor.u32 $0xF, v0;
	s12 =	smax.u32 s12, $0x1;
	p1 =	por p1, p0  }
.LBB2_11:
0x10: {  	s20 =	simm.s32 @p0 $0x0;
	s21 =	simm.s32 @p0 $0x8000;
	s22 =	simm.s32 @p0 $0x1  }
0x11: {  	[tilespmem:s21], [sflag:$0x1] =	stream.linear.gather @p0 [hbm4b:s3+s20], $0x6C00, $0x38;
	[tilespmem:$0x10000] =	vst v63  }
0x12: {  	_ =	swait.ge @p0 [sflag:s22], $0x6C00  }
0x13: {  	[sflag:s22] =	ssyncset.done @p0 $0x0  }
0x14: {  	[sflag:s22] =	ssyncadd.s32 @p0 $0xFFFF9400  }
0x15: {  	[hbm4b:s10+s20] =	stream.linear.scatter @p0 [tilespmem:s21], [sflag:$0x1], $0x6C00, $0x38;
	[tilespmem:$0x10000] =	vst v63  }
0x16: {  	_ =	swait.ge @p0 [sflag:s22], $0x6C00  }
0x17: {  	s20 =	simm.s32 @!p1 $0x0;
	[sflag:s22] =	ssyncset.done @p0 $0x0  }
0x18: {  	s21 =	simm.s32 @!p1 $0x8000;
	[sflag:s22] =	ssyncadd.s32 @p0 $0xFFFF9400;
	s22 =	simm.s32 @!p1 $0x1  }
0x19: {  	[tilespmem:s21], [sflag:$0x1] =	stream.linear.gather @!p1 [hbm4b:s7+s20], $0x2400, $0x38;
	[tilespmem:$0x10000] =	vst v63  }
0x1a: {  	s19 =	sadd.s32 $0x1, s19;
	_ =	swait.ge @!p1 [sflag:s22], $0x2400  }
0x1b: {  	p2 =	sne.s32 s19, s12;
	[sflag:s22] =	ssyncset.done @!p1 $0x0  }
.Ltmp1:
0x1c: {  	[sflag:s22] =	ssyncadd.s32 @!p1 $0xFFFFDC00;
	(pc) =	sbr.rel @!p2 .LBB2_12-.Ltmp1, $4  }
0x1d: {  	[hbm4b:s11+s20] =	stream.linear.scatter @!p1 [tilespmem:s21], [sflag:$0x1], $0x2400, $0x38;
	[tilespmem:$0x10000] =	vst v63  }
0x1e: {  	_ =	swait.ge @!p1 [sflag:s22], $0x2400  }
0x1f: {  	[sflag:s22] =	ssyncset.done @!p1 $0x0  }
0x20: {  	[sflag:s22] =	ssyncadd.s32 @!p1 $0xFFFFDC00  }
.LBB2_1:
.Ltmp2:
0x21: {  	(pc) =	sbr.rel .LBB2_2-.Ltmp2, $2  }
0x22: {  	_ =	sdelay $0x2  }
0x23: {  	s20 =	simm.s32 $0x0  }
.LBB2_10:
0x24: {  	s20 =	sadd.s32 $0x1, s20  }
0x25: {  	p2 =	sne.s32 s20, $0x11  }
.Ltmp3:
0x26: {  	_ = 	snop;
	(pc) =	sbr.rel @!p2 .LBB2_11-.Ltmp3, $1  }
0x27: {  	_ =	sdelay $0x3  }
.LBB2_2:
0x28: {  	s21 =	sshll.u32 s20, $0x5  }
0x29: {  	s22 =	sor.u32 s9, s21  }
0x2a: {  	p2 =	sgt.u32 s22, $0x1E7  }
.Ltmp4:
0x2b: {  	_ = 	snop;
	(pc) =	sbr.rel @p2 .LBB2_6-.Ltmp4, $2  }
0x2c: {  	_ =	sdelay $0x2  }
0x2d: {  	s21 =	sshll.u32 s22, $0xB  }
0x2e: {  	s24 =	sadd.s32 s1, s21;
	s23 =	simm.s32 $0x0  }
0x2f: {  	[tilespmem:s23], [sflag:$0x2] =	stream.strided.gather [hbm4b:s24+s13], $0x8000, s14, s13, $0x38;
	[tilespmem:$0x10000] =	vst v63  }
0x30: {  	v17 =	vmov s23;
	_ =	swait.ge [sflag:s15], $0x8000  }
0x31: {  	s29 =	sand.u32 $0x70, s23;
	s25 =	sand.u32 $0x3C00, s23;
	v17 =	vshll.u32 v17, $0x7;
	[sflag:s15] =	ssyncset.done $0x0  }
0x32: {  	s24 =	sor.u32 s29, s25;
	v17 =	vor.u32 v1, v17;
	[sflag:s15] =	ssyncadd.s32 $0xFFFF8000  }
0x33: {  	v19 =	vor.u32 v0, v17;
	v18 =	vld [tilespmem:s24+$0x0];
	_ =	sdelay $0x4  }
0x34: {  	[tilespmem:v19+s16+$0x0] =	vst.idx.msk $0xffff, v18  }
0x35: {  	v19 =	vor.u32 v2, v17;
	v18 =	vld [tilespmem:s24+$0x80];
	_ =	sdelay $0x4  }
0x36: {  	[tilespmem:v19+s16+$0x0] =	vst.idx.msk $0xffff, v18  }
0x37: {  	v19 =	vor.u32 v3, v17;
	v18 =	vld [tilespmem:s24+$0x100];
	_ =	sdelay $0x4  }
0x38: {  	[tilespmem:v19+s16+$0x0] =	vst.idx.msk $0xffff, v18  }
0x39: {  	v19 =	vor.u32 v4, v17;
	v18 =	vld [tilespmem:s24+$0x180];
	_ =	sdelay $0x4  }
0x3a: {  	[tilespmem:v19+s16+$0x0] =	vst.idx.msk $0xffff, v18  }
0x3b: {  	v19 =	vor.u32 v5, v17;
	v18 =	vld [tilespmem:s24+$0x200];
	_ =	sdelay $0x4  }
0x3c: {  	[tilespmem:v19+s16+$0x0] =	vst.idx.msk $0xffff, v18  }
0x3d: {  	v19 =	vor.u32 v6, v17;
	v18 =	vld [tilespmem:s24+$0x280];
	_ =	sdelay $0x4  }
0x3e: {  	[tilespmem:v19+s16+$0x0] =	vst.idx.msk $0xffff, v18  }
0x3f: {  	v19 =	vor.u32 v7, v17;
	v18 =	vld [tilespmem:s24+$0x300];
	_ =	sdelay $0x1  }
0x40: {  	s30 =	sand.u32 $0x7, s23  }
0x41: {  	s25 =	sshll.u32 s30, $0x4  }
0x42: {  	s25 =	sadd.s32 $0x0, s25  }
0x43: {  	s25 =	sor.u32 $0x380, s25;
	[tilespmem:v19+s16+$0x0] =	vst.idx.msk $0xffff, v18  }
0x44: {  	v19 =	vor.u32 v8, v17;
	v18 =	vld [tilespmem:s25+$0x0];
	_ =	sdelay $0x4  }
0x45: {  	[tilespmem:v19+s16+$0x0] =	vst.idx.msk $0xffff, v18  }
0x46: {  	v19 =	vor.u32 v9, v17;
	v18 =	vld [tilespmem:s24+$0x4000];
	_ =	sdelay $0x4  }
0x47: {  	[tilespmem:v19+s16+$0x0] =	vst.idx.msk $0xffff, v18  }
0x48: {  	v19 =	vor.u32 v10, v17;
	v18 =	vld [tilespmem:s24+$0x4080];
	_ =	sdelay $0x4  }
0x49: {  	[tilespmem:v19+s16+$0x0] =	vst.idx.msk $0xffff, v18  }
0x4a: {  	v19 =	vor.u32 v11, v17;
	v18 =	vld [tilespmem:s24+$0x4100];
	_ =	sdelay $0x4  }
0x4b: {  	[tilespmem:v19+s16+$0x0] =	vst.idx.msk $0xffff, v18  }
0x4c: {  	v19 =	vor.u32 v12, v17;
	v18 =	vld [tilespmem:s24+$0x4180];
	_ =	sdelay $0x4  }
0x4d: {  	[tilespmem:v19+s16+$0x0] =	vst.idx.msk $0xffff, v18  }
0x4e: {  	v19 =	vor.u32 v13, v17;
	v18 =	vld [tilespmem:s24+$0x4200];
	_ =	sdelay $0x4  }
0x4f: {  	[tilespmem:v19+s16+$0x0] =	vst.idx.msk $0xffff, v18  }
0x50: {  	v19 =	vor.u32 v14, v17;
	v18 =	vld [tilespmem:s24+$0x4280];
	_ =	sdelay $0x4  }
0x51: {  	[tilespmem:v19+s16+$0x0] =	vst.idx.msk $0xffff, v18  }
0x52: {  	v19 =	vor.u32 v15, v17;
	v18 =	vld [tilespmem:s24+$0x4300];
	_ =	sdelay $0x4  }
0x53: {  	[tilespmem:v19+s16+$0x0] =	vst.idx.msk $0xffff, v18  }
0x54: {  	v19 =	vor.u32 v16, v17;
	v18 =	vld [tilespmem:s24+$0x4380];
	_ =	sdelay $0x1  }
0x55: {  	s31 =	simm.s32 $0x2  }
0x56: {  	s26 =	simm.s32 $0x4;
	s25 =	simm.s32 $0x10;
	v17 =	vmov s31;
	s24 =	simm.s32 $0x80  }
.LBB2_4:
0x57: {  	p2 =	sne.s32 s26, $0xFE;
	v17 =	vshll.u32 v17, $0x7;
	s28 =	sand.u32 $0x70, s25;
	s29 =	sand.u32 $0x3C00, s24  }
0x58: {  	s28 =	sor.u32 s28, s29;
	v17 =	vor.u32 v1, v17;
	[tilespmem:v19+s16+$0x0] =	vst.idx.msk $0xffff, v18  }
0x59: {  	v18 =	vld [tilespmem:s28+$0x0];
	v19 =	vor.u32 v0, v17;
	_ =	sdelay $0x4  }
0x5a: {  	[tilespmem:v19+s16+$0x0] =	vst.idx.msk $0xffff, v18  }
0x5b: {  	v19 =	vor.u32 v2, v17;
	v18 =	vld [tilespmem:s28+$0x80];
	_ =	sdelay $0x4  }
0x5c: {  	[tilespmem:v19+s16+$0x0] =	vst.idx.msk $0xffff, v18  }
0x5d: {  	v19 =	vor.u32 v3, v17;
	v18 =	vld [tilespmem:s28+$0x100];
	_ =	sdelay $0x4  }
0x5e: {  	[tilespmem:v19+s16+$0x0] =	vst.idx.msk $0xffff, v18  }
0x5f: {  	v19 =	vor.u32 v4, v17;
	v18 =	vld [tilespmem:s28+$0x180];
	_ =	sdelay $0x4  }
0x60: {  	[tilespmem:v19+s16+$0x0] =	vst.idx.msk $0xffff, v18  }
0x61: {  	v19 =	vor.u32 v5, v17;
	v18 =	vld [tilespmem:s28+$0x200];
	_ =	sdelay $0x4  }
0x62: {  	[tilespmem:v19+s16+$0x0] =	vst.idx.msk $0xffff, v18  }
0x63: {  	v19 =	vor.u32 v6, v17;
	v18 =	vld [tilespmem:s28+$0x280];
	_ =	sdelay $0x4  }
0x64: {  	[tilespmem:v19+s16+$0x0] =	vst.idx.msk $0xffff, v18  }
0x65: {  	v19 =	vor.u32 v7, v17;
	v18 =	vld [tilespmem:s28+$0x300]  }
0x66: {  	s23 =	sadd.s32 $0x1, s23  }
0x67: {  	s29 =	sand.u32 $0x7, s23  }
0x68: {  	s29 =	sshll.u32 s29, $0x4  }
0x69: {  	s29 =	sadd.s32 s29, s24  }
0x6a: {  	s29 =	sor.u32 $0x380, s29;
	[tilespmem:v19+s16+$0x0] =	vst.idx.msk $0xffff, v18  }
0x6b: {  	v19 =	vor.u32 v8, v17;
	v18 =	vld [tilespmem:s29+$0x0];
	_ =	sdelay $0x4  }
0x6c: {  	[tilespmem:v19+s16+$0x0] =	vst.idx.msk $0xffff, v18  }
0x6d: {  	v19 =	vor.u32 v9, v17;
	v18 =	vld [tilespmem:s28+$0x4000];
	_ =	sdelay $0x4  }
0x6e: {  	[tilespmem:v19+s16+$0x0] =	vst.idx.msk $0xffff, v18  }
0x6f: {  	v19 =	vor.u32 v10, v17;
	v18 =	vld [tilespmem:s28+$0x4080];
	_ =	sdelay $0x4  }
0x70: {  	[tilespmem:v19+s16+$0x0] =	vst.idx.msk $0xffff, v18  }
0x71: {  	v19 =	vor.u32 v11, v17;
	v18 =	vld [tilespmem:s28+$0x4100];
	_ =	sdelay $0x4  }
0x72: {  	[tilespmem:v19+s16+$0x0] =	vst.idx.msk $0xffff, v18  }
0x73: {  	v19 =	vor.u32 v12, v17;
	v18 =	vld [tilespmem:s28+$0x4180];
	_ =	sdelay $0x4  }
0x74: {  	[tilespmem:v19+s16+$0x0] =	vst.idx.msk $0xffff, v18  }
0x75: {  	v19 =	vor.u32 v13, v17;
	v18 =	vld [tilespmem:s28+$0x4200];
	_ =	sdelay $0x4  }
0x76: {  	[tilespmem:v19+s16+$0x0] =	vst.idx.msk $0xffff, v18  }
0x77: {  	v19 =	vor.u32 v14, v17;
	v18 =	vld [tilespmem:s28+$0x4280];
	_ =	sdelay $0x4  }
0x78: {  	[tilespmem:v19+s16+$0x0] =	vst.idx.msk $0xffff, v18  }
0x79: {  	v19 =	vor.u32 v15, v17;
	v18 =	vld [tilespmem:s28+$0x4300];
	_ =	sdelay $0x4  }
.Ltmp5:
0x7a: {  	[tilespmem:v19+s16+$0x0] =	vst.idx.msk $0xffff, v18;
	(pc) =	sbr.rel @p2 .LBB2_4-.Ltmp5, $2  }
0x7b: {  	v19 =	vor.u32 v16, v17;
	v18 =	vld [tilespmem:s28+$0x4380];
	_ =	sdelay $0x2  }
0x7c: {  	s25 =	sadd.s32 $0x10, s25;
	s24 =	sadd.s32 $0x80, s24;
	v17 =	vmov s26;
	s26 =	sadd.s32 $0x2, s26  }
0x7d: {  	_ =	sdelay $0x2  }
0x7e: {  	v17 =	vshll.u32 v17, $0x7;
	s25 =	sand.u32 $0x70, s25;
	s26 =	sand.u32 $0x3C00, s24  }
0x7f: {  	s25 =	sor.u32 s25, s26;
	v17 =	vor.u32 v1, v17;
	[tilespmem:v19+s16+$0x0] =	vst.idx.msk $0xffff, v18  }
0x80: {  	v18 =	vld [tilespmem:s25+$0x0];
	v19 =	vor.u32 v0, v17;
	_ =	sdelay $0x4  }
0x81: {  	[tilespmem:v19+s16+$0x0] =	vst.idx.msk $0xffff, v18  }
0x82: {  	v19 =	vor.u32 v2, v17;
	v18 =	vld [tilespmem:s25+$0x80];
	_ =	sdelay $0x4  }
0x83: {  	[tilespmem:v19+s16+$0x0] =	vst.idx.msk $0xffff, v18  }
0x84: {  	v19 =	vor.u32 v3, v17;
	v18 =	vld [tilespmem:s25+$0x100];
	_ =	sdelay $0x4  }
0x85: {  	[tilespmem:v19+s16+$0x0] =	vst.idx.msk $0xffff, v18  }
0x86: {  	v19 =	vor.u32 v4, v17;
	v18 =	vld [tilespmem:s25+$0x180];
	_ =	sdelay $0x4  }
0x87: {  	[tilespmem:v19+s16+$0x0] =	vst.idx.msk $0xffff, v18  }
0x88: {  	v19 =	vor.u32 v5, v17;
	v18 =	vld [tilespmem:s25+$0x200];
	_ =	sdelay $0x4  }
0x89: {  	[tilespmem:v19+s16+$0x0] =	vst.idx.msk $0xffff, v18  }
0x8a: {  	v19 =	vor.u32 v6, v17;
	v18 =	vld [tilespmem:s25+$0x280];
	_ =	sdelay $0x4  }
0x8b: {  	[tilespmem:v19+s16+$0x0] =	vst.idx.msk $0xffff, v18  }
0x8c: {  	v19 =	vor.u32 v7, v17;
	v18 =	vld [tilespmem:s25+$0x300]  }
0x8d: {  	s23 =	sadd.s32 $0x1, s23  }
0x8e: {  	s23 =	sand.u32 $0x7, s23  }
0x8f: {  	s23 =	sshll.u32 s23, $0x4  }
0x90: {  	s23 =	sadd.s32 s23, s24  }
0x91: {  	s23 =	sor.u32 $0x380, s23;
	[tilespmem:v19+s16+$0x0] =	vst.idx.msk $0xffff, v18  }
0x92: {  	v19 =	vor.u32 v8, v17;
	v18 =	vld [tilespmem:s23+$0x0];
	_ =	sdelay $0x4  }
0x93: {  	[tilespmem:v19+s16+$0x0] =	vst.idx.msk $0xffff, v18  }
0x94: {  	v19 =	vor.u32 v9, v17;
	v18 =	vld [tilespmem:s25+$0x4000];
	_ =	sdelay $0x4  }
0x95: {  	[tilespmem:v19+s16+$0x0] =	vst.idx.msk $0xffff, v18  }
0x96: {  	v19 =	vor.u32 v10, v17;
	v18 =	vld [tilespmem:s25+$0x4080];
	_ =	sdelay $0x4  }
0x97: {  	[tilespmem:v19+s16+$0x0] =	vst.idx.msk $0xffff, v18  }
0x98: {  	v19 =	vor.u32 v11, v17;
	v18 =	vld [tilespmem:s25+$0x4100];
	_ =	sdelay $0x4  }
0x99: {  	[tilespmem:v19+s16+$0x0] =	vst.idx.msk $0xffff, v18  }
0x9a: {  	v19 =	vor.u32 v12, v17;
	v18 =	vld [tilespmem:s25+$0x4180];
	_ =	sdelay $0x4  }
0x9b: {  	[tilespmem:v19+s16+$0x0] =	vst.idx.msk $0xffff, v18  }
0x9c: {  	v19 =	vor.u32 v13, v17;
	v18 =	vld [tilespmem:s25+$0x4200];
	_ =	sdelay $0x4  }
0x9d: {  	[tilespmem:v19+s16+$0x0] =	vst.idx.msk $0xffff, v18  }
0x9e: {  	v19 =	vor.u32 v14, v17;
	v18 =	vld [tilespmem:s25+$0x4280];
	_ =	sdelay $0x4  }
0x9f: {  	[tilespmem:v19+s16+$0x0] =	vst.idx.msk $0xffff, v18  }
0xa0: {  	v19 =	vor.u32 v15, v17;
	v18 =	vld [tilespmem:s25+$0x4300];
	_ =	sdelay $0x4  }
0xa1: {  	[tilespmem:v19+s16+$0x0] =	vst.idx.msk $0xffff, v18  }
0xa2: {  	v17 =	vor.u32 v16, v17;
	v18 =	vld [tilespmem:s25+$0x4380];
	_ =	sdelay $0x3  }
0xa3: {  	s31 =	sshll.u32 s22, $0xC  }
0xa4: {  	s23 =	sadd.s32 s8, s31;
	[tilespmem:v17+s16+$0x0] =	vst.idx.msk $0xffff, v18  }
0xa5: {  	[hbm4b:s23+s5] =	stream.linear.scatter [tilespmem:s16], [sflag:$0x2], $0x8000, $0x38;
	[tilespmem:$0x10000] =	vst v63  }
0xa6: {  	_ =	swait.ge [sflag:s15], $0x8000  }
0xa7: {  	[sflag:s15] =	ssyncset.done $0x0  }
0xa8: {  	[sflag:s15] =	ssyncadd.s32 $0xFFFF8000  }
.LBB2_6:
0xa9: {  	s22 =	sadd.s32 $0xFFFFFE18, s22  }
0xaa: {  	p2 =	sgt.u32 s22, $0x2F  }
.Ltmp6:
0xab: {  	_ = 	snop;
	(pc) =	sbr.rel @p2 .LBB2_10-.Ltmp6, $1  }
0xac: {  	_ =	sdelay $0x3  }
0xad: {  	s21 =	sadd.s32 $0xFFF0C000, s21  }
0xae: {  	s22 =	simm.s32 $0x0;
	s23 =	sadd.s32 s2, s21  }
0xaf: {  	[tilespmem:s22], [sflag:$0x2] =	stream.strided.gather [hbm4b:s23+s13], $0x8000, s17, s13, $0x38;
	[tilespmem:$0x10000] =	vst v63  }
0xb0: {  	v17 =	vmov s22;
	_ =	swait.ge [sflag:s15], $0x8000  }
0xb1: {  	s29 =	sand.u32 $0x70, s22;
	s24 =	sand.u32 $0x3C00, s22;
	v17 =	vshll.u32 v17, $0x7;
	[sflag:s15] =	ssyncset.done $0x0  }
0xb2: {  	s23 =	sor.u32 s29, s24;
	v17 =	vor.u32 v1, v17;
	[sflag:s15] =	ssyncadd.s32 $0xFFFF8000  }
0xb3: {  	v19 =	vor.u32 v0, v17;
	v18 =	vld [tilespmem:s23+$0x0];
	_ =	sdelay $0x4  }
0xb4: {  	[tilespmem:v19+s16+$0x0] =	vst.idx.msk $0xffff, v18  }
0xb5: {  	v19 =	vor.u32 v2, v17;
	v18 =	vld [tilespmem:s23+$0x80];
	_ =	sdelay $0x4  }
0xb6: {  	[tilespmem:v19+s16+$0x0] =	vst.idx.msk $0xffff, v18  }
0xb7: {  	v19 =	vor.u32 v3, v17;
	v18 =	vld [tilespmem:s23+$0x100];
	_ =	sdelay $0x4  }
0xb8: {  	[tilespmem:v19+s16+$0x0] =	vst.idx.msk $0xffff, v18  }
0xb9: {  	v19 =	vor.u32 v4, v17;
	v18 =	vld [tilespmem:s23+$0x180];
	_ =	sdelay $0x4  }
0xba: {  	[tilespmem:v19+s16+$0x0] =	vst.idx.msk $0xffff, v18  }
0xbb: {  	v19 =	vor.u32 v5, v17;
	v18 =	vld [tilespmem:s23+$0x200];
	_ =	sdelay $0x4  }
0xbc: {  	[tilespmem:v19+s16+$0x0] =	vst.idx.msk $0xffff, v18  }
0xbd: {  	v19 =	vor.u32 v6, v17;
	v18 =	vld [tilespmem:s23+$0x280];
	_ =	sdelay $0x4  }
0xbe: {  	[tilespmem:v19+s16+$0x0] =	vst.idx.msk $0xffff, v18  }
0xbf: {  	v19 =	vor.u32 v7, v17;
	v18 =	vld [tilespmem:s23+$0x300];
	_ =	sdelay $0x1  }
0xc0: {  	s30 =	sand.u32 $0x7, s22  }
0xc1: {  	s24 =	sshll.u32 s30, $0x4  }
0xc2: {  	s24 =	sadd.s32 $0x0, s24  }
0xc3: {  	s24 =	sor.u32 $0x380, s24;
	[tilespmem:v19+s16+$0x0] =	vst.idx.msk $0xffff, v18  }
0xc4: {  	v19 =	vor.u32 v8, v17;
	v18 =	vld [tilespmem:s24+$0x0];
	_ =	sdelay $0x4  }
0xc5: {  	[tilespmem:v19+s16+$0x0] =	vst.idx.msk $0xffff, v18  }
0xc6: {  	v19 =	vor.u32 v9, v17;
	v18 =	vld [tilespmem:s23+$0x4000];
	_ =	sdelay $0x4  }
0xc7: {  	[tilespmem:v19+s16+$0x0] =	vst.idx.msk $0xffff, v18  }
0xc8: {  	v19 =	vor.u32 v10, v17;
	v18 =	vld [tilespmem:s23+$0x4080];
	_ =	sdelay $0x4  }
0xc9: {  	[tilespmem:v19+s16+$0x0] =	vst.idx.msk $0xffff, v18  }
0xca: {  	v19 =	vor.u32 v11, v17;
	v18 =	vld [tilespmem:s23+$0x4100];
	_ =	sdelay $0x4  }
0xcb: {  	[tilespmem:v19+s16+$0x0] =	vst.idx.msk $0xffff, v18  }
0xcc: {  	v19 =	vor.u32 v12, v17;
	v18 =	vld [tilespmem:s23+$0x4180];
	_ =	sdelay $0x4  }
0xcd: {  	[tilespmem:v19+s16+$0x0] =	vst.idx.msk $0xffff, v18  }
0xce: {  	v19 =	vor.u32 v13, v17;
	v18 =	vld [tilespmem:s23+$0x4200];
	_ =	sdelay $0x4  }
0xcf: {  	[tilespmem:v19+s16+$0x0] =	vst.idx.msk $0xffff, v18  }
0xd0: {  	v19 =	vor.u32 v14, v17;
	v18 =	vld [tilespmem:s23+$0x4280];
	_ =	sdelay $0x4  }
0xd1: {  	[tilespmem:v19+s16+$0x0] =	vst.idx.msk $0xffff, v18  }
0xd2: {  	v19 =	vor.u32 v15, v17;
	v18 =	vld [tilespmem:s23+$0x4300];
	_ =	sdelay $0x4  }
0xd3: {  	[tilespmem:v19+s16+$0x0] =	vst.idx.msk $0xffff, v18  }
0xd4: {  	v19 =	vor.u32 v16, v17;
	v18 =	vld [tilespmem:s23+$0x4380];
	_ =	sdelay $0x1  }
0xd5: {  	s31 =	simm.s32 $0x2  }
0xd6: {  	s25 =	simm.s32 $0x4;
	s24 =	simm.s32 $0x10;
	v17 =	vmov s31;
	s23 =	simm.s32 $0x80  }
.LBB2_8:
0xd7: {  	p2 =	sne.s32 s25, $0xFE;
	v17 =	vshll.u32 v17, $0x7;
	s26 =	sand.u32 $0x70, s24;
	s28 =	sand.u32 $0x3C00, s23  }
0xd8: {  	s26 =	sor.u32 s26, s28;
	v17 =	vor.u32 v1, v17;
	[tilespmem:v19+s16+$0x0] =	vst.idx.msk $0xffff, v18  }
0xd9: {  	v18 =	vld [tilespmem:s26+$0x0];
	v19 =	vor.u32 v0, v17;
	_ =	sdelay $0x4  }
0xda: {  	[tilespmem:v19+s16+$0x0] =	vst.idx.msk $0xffff, v18  }
0xdb: {  	v19 =	vor.u32 v2, v17;
	v18 =	vld [tilespmem:s26+$0x80];
	_ =	sdelay $0x4  }
0xdc: {  	[tilespmem:v19+s16+$0x0] =	vst.idx.msk $0xffff, v18  }
0xdd: {  	v19 =	vor.u32 v3, v17;
	v18 =	vld [tilespmem:s26+$0x100];
	_ =	sdelay $0x4  }
0xde: {  	[tilespmem:v19+s16+$0x0] =	vst.idx.msk $0xffff, v18  }
0xdf: {  	v19 =	vor.u32 v4, v17;
	v18 =	vld [tilespmem:s26+$0x180];
	_ =	sdelay $0x4  }
0xe0: {  	[tilespmem:v19+s16+$0x0] =	vst.idx.msk $0xffff, v18  }
0xe1: {  	v19 =	vor.u32 v5, v17;
	v18 =	vld [tilespmem:s26+$0x200];
	_ =	sdelay $0x4  }
0xe2: {  	[tilespmem:v19+s16+$0x0] =	vst.idx.msk $0xffff, v18  }
0xe3: {  	v19 =	vor.u32 v6, v17;
	v18 =	vld [tilespmem:s26+$0x280];
	_ =	sdelay $0x4  }
0xe4: {  	[tilespmem:v19+s16+$0x0] =	vst.idx.msk $0xffff, v18  }
0xe5: {  	v19 =	vor.u32 v7, v17;
	v18 =	vld [tilespmem:s26+$0x300]  }
0xe6: {  	s22 =	sadd.s32 $0x1, s22  }
0xe7: {  	s28 =	sand.u32 $0x7, s22  }
0xe8: {  	s28 =	sshll.u32 s28, $0x4  }
0xe9: {  	s28 =	sadd.s32 s28, s23  }
0xea: {  	s28 =	sor.u32 $0x380, s28;
	[tilespmem:v19+s16+$0x0] =	vst.idx.msk $0xffff, v18  }
0xeb: {  	v19 =	vor.u32 v8, v17;
	v18 =	vld [tilespmem:s28+$0x0];
	_ =	sdelay $0x4  }
0xec: {  	[tilespmem:v19+s16+$0x0] =	vst.idx.msk $0xffff, v18  }
0xed: {  	v19 =	vor.u32 v9, v17;
	v18 =	vld [tilespmem:s26+$0x4000];
	_ =	sdelay $0x4  }
0xee: {  	[tilespmem:v19+s16+$0x0] =	vst.idx.msk $0xffff, v18  }
0xef: {  	v19 =	vor.u32 v10, v17;
	v18 =	vld [tilespmem:s26+$0x4080];
	_ =	sdelay $0x4  }
0xf0: {  	[tilespmem:v19+s16+$0x0] =	vst.idx.msk $0xffff, v18  }
0xf1: {  	v19 =	vor.u32 v11, v17;
	v18 =	vld [tilespmem:s26+$0x4100];
	_ =	sdelay $0x4  }
0xf2: {  	[tilespmem:v19+s16+$0x0] =	vst.idx.msk $0xffff, v18  }
0xf3: {  	v19 =	vor.u32 v12, v17;
	v18 =	vld [tilespmem:s26+$0x4180];
	_ =	sdelay $0x4  }
0xf4: {  	[tilespmem:v19+s16+$0x0] =	vst.idx.msk $0xffff, v18  }
0xf5: {  	v19 =	vor.u32 v13, v17;
	v18 =	vld [tilespmem:s26+$0x4200];
	_ =	sdelay $0x4  }
0xf6: {  	[tilespmem:v19+s16+$0x0] =	vst.idx.msk $0xffff, v18  }
0xf7: {  	v19 =	vor.u32 v14, v17;
	v18 =	vld [tilespmem:s26+$0x4280];
	_ =	sdelay $0x4  }
0xf8: {  	[tilespmem:v19+s16+$0x0] =	vst.idx.msk $0xffff, v18  }
0xf9: {  	v19 =	vor.u32 v15, v17;
	v18 =	vld [tilespmem:s26+$0x4300];
	_ =	sdelay $0x4  }
.Ltmp7:
0xfa: {  	[tilespmem:v19+s16+$0x0] =	vst.idx.msk $0xffff, v18;
	(pc) =	sbr.rel @p2 .LBB2_8-.Ltmp7, $2  }
0xfb: {  	v19 =	vor.u32 v16, v17;
	v18 =	vld [tilespmem:s26+$0x4380];
	_ =	sdelay $0x2  }
0xfc: {  	s24 =	sadd.s32 $0x10, s24;
	s23 =	sadd.s32 $0x80, s23;
	v17 =	vmov s25;
	s25 =	sadd.s32 $0x2, s25  }
0xfd: {  	_ =	sdelay $0x2  }
0xfe: {  	v17 =	vshll.u32 v17, $0x7;
	s24 =	sand.u32 $0x70, s24;
	s25 =	sand.u32 $0x3C00, s23  }
0xff: {  	s24 =	sor.u32 s24, s25;
	v17 =	vor.u32 v1, v17;
	[tilespmem:v19+s16+$0x0] =	vst.idx.msk $0xffff, v18  }
0x100: {  	v18 =	vld [tilespmem:s24+$0x0];
	v19 =	vor.u32 v0, v17;
	_ =	sdelay $0x4  }
0x101: {  	[tilespmem:v19+s16+$0x0] =	vst.idx.msk $0xffff, v18  }
0x102: {  	v19 =	vor.u32 v2, v17;
	v18 =	vld [tilespmem:s24+$0x80];
	_ =	sdelay $0x4  }
0x103: {  	[tilespmem:v19+s16+$0x0] =	vst.idx.msk $0xffff, v18  }
0x104: {  	v19 =	vor.u32 v3, v17;
	v18 =	vld [tilespmem:s24+$0x100];
	_ =	sdelay $0x4  }
0x105: {  	[tilespmem:v19+s16+$0x0] =	vst.idx.msk $0xffff, v18  }
0x106: {  	v19 =	vor.u32 v4, v17;
	v18 =	vld [tilespmem:s24+$0x180];
	_ =	sdelay $0x4  }
0x107: {  	[tilespmem:v19+s16+$0x0] =	vst.idx.msk $0xffff, v18  }
0x108: {  	v19 =	vor.u32 v5, v17;
	v18 =	vld [tilespmem:s24+$0x200];
	_ =	sdelay $0x4  }
0x109: {  	[tilespmem:v19+s16+$0x0] =	vst.idx.msk $0xffff, v18  }
0x10a: {  	v19 =	vor.u32 v6, v17;
	v18 =	vld [tilespmem:s24+$0x280];
	_ =	sdelay $0x4  }
0x10b: {  	[tilespmem:v19+s16+$0x0] =	vst.idx.msk $0xffff, v18  }
0x10c: {  	v19 =	vor.u32 v7, v17;
	v18 =	vld [tilespmem:s24+$0x300]  }
0x10d: {  	s22 =	sadd.s32 $0x1, s22  }
0x10e: {  	s22 =	sand.u32 $0x7, s22  }
0x10f: {  	s22 =	sshll.u32 s22, $0x4  }
0x110: {  	s22 =	sadd.s32 s22, s23  }
0x111: {  	s22 =	sor.u32 $0x380, s22;
	[tilespmem:v19+s16+$0x0] =	vst.idx.msk $0xffff, v18  }
0x112: {  	v19 =	vor.u32 v8, v17;
	v18 =	vld [tilespmem:s22+$0x0];
	_ =	sdelay $0x4  }
0x113: {  	[tilespmem:v19+s16+$0x0] =	vst.idx.msk $0xffff, v18  }
0x114: {  	v19 =	vor.u32 v9, v17;
	v18 =	vld [tilespmem:s24+$0x4000];
	_ =	sdelay $0x4  }
0x115: {  	[tilespmem:v19+s16+$0x0] =	vst.idx.msk $0xffff, v18  }
0x116: {  	v19 =	vor.u32 v10, v17;
	v18 =	vld [tilespmem:s24+$0x4080];
	_ =	sdelay $0x4  }
0x117: {  	[tilespmem:v19+s16+$0x0] =	vst.idx.msk $0xffff, v18  }
0x118: {  	v19 =	vor.u32 v11, v17;
	v18 =	vld [tilespmem:s24+$0x4100];
	_ =	sdelay $0x4  }
0x119: {  	[tilespmem:v19+s16+$0x0] =	vst.idx.msk $0xffff, v18  }
0x11a: {  	v19 =	vor.u32 v12, v17;
	v18 =	vld [tilespmem:s24+$0x4180];
	_ =	sdelay $0x4  }
0x11b: {  	[tilespmem:v19+s16+$0x0] =	vst.idx.msk $0xffff, v18  }
0x11c: {  	v19 =	vor.u32 v13, v17;
	v18 =	vld [tilespmem:s24+$0x4200];
	_ =	sdelay $0x4  }
0x11d: {  	[tilespmem:v19+s16+$0x0] =	vst.idx.msk $0xffff, v18  }
0x11e: {  	v19 =	vor.u32 v14, v17;
	v18 =	vld [tilespmem:s24+$0x4280];
	_ =	sdelay $0x4  }
0x11f: {  	[tilespmem:v19+s16+$0x0] =	vst.idx.msk $0xffff, v18  }
0x120: {  	v19 =	vor.u32 v15, v17;
	v18 =	vld [tilespmem:s24+$0x4300];
	_ =	sdelay $0x4  }
0x121: {  	[tilespmem:v19+s16+$0x0] =	vst.idx.msk $0xffff, v18  }
0x122: {  	v17 =	vor.u32 v16, v17;
	v18 =	vld [tilespmem:s24+$0x4380];
	_ =	sdelay $0x3  }
0x123: {  	s21 =	sshll.u32 s21, $0x1  }
.Ltmp8:
0x124: {  	s21 =	sadd.s32 s4, s21;
	[tilespmem:v17+s16+$0x0] =	vst.idx.msk $0xffff, v18;
	(pc) =	sbr.rel .LBB2_10-.Ltmp8, $4  }
0x125: {  	[hbm4b:s21+s5] =	stream.linear.scatter [tilespmem:s16], [sflag:$0x1], $0x8000, $0x38;
	[tilespmem:$0x10000] =	vst v63  }
0x126: {  	_ =	swait.ge [sflag:s18], $0x8000  }
0x127: {  	[sflag:s18] =	ssyncset.done $0x0  }
0x128: {  	[sflag:s18] =	ssyncadd.s32 $0xFFFF8000  }
.LBB2_12:
0x129: {  	_ =	sfence.sel $0x180000  }
0x12a: {  	[bflag:$0x0] =	sbarrier.arrive $0xFFFF  }
0x12b: {  	p0 =	sne.s32 s6, $0x0;
	_ =	strace $0x90000047  }
0x12c: {  	s0 =	sadd.s32 @!p0 $0x100000, s0;
	[bflag:$0x2] =	sbarrier.arrive $0xFFFF  }
0x12d: {  	[sflag:s0] =	ssyncadd.tile.s32 @!p0 $0x1;
	_ =	shalt  }
.Lfunc_end2:
_tile_overlayer_lowered:
.L_overlay_start_2:
0x12e: {  	(tag) =	ssettag $0x2  }
0x12f: {  	s0 =	rddreg [dreg:$0x0];
	s2 =	stileid.u32  }
0x130: {  	s1 =	rddreg [dreg:$0x1];
	p0 =	sne.s32 s2, $0x0  }
0x131: {  	s3 =	rddreg [dreg:$0x2];
	[bflag:$0x3] =	sbarrier.arrive $0xFFFF;
	s2 =	simm.s32 @!p0 $0x1C01  }
0x132: {  	[timem:s3], [sflag:s2] =	dma.local @!p0 [hbm:s0], s1  }
0x133: {  	s0 =	simm.s32 @!p0 $0x1  }
0x134: {  	_ =	swait.ge @!p0 [sflag:s0], s1  }
0x135: {  	s1 =	ssub.s32 @!p0 $0x0, s1;
	[sflag:s0] =	ssyncset.done @!p0 $0x0  }
0x136: {  	[sflag:s0] =	ssyncadd.s32 @!p0 s1  }
0x137: {  	[bflag:$0x3] =	sbarrier.arrive $0xFFFF  }
0x138: {  	_ =	shalt  }

// kernel: kernel.7.cloned.1.call-start
scs
__scs_entry_jumppad:
0x0: {  	(pc) =	sbr.rel $0x88, $3  }
0x1: {  	(tag) =	ssettag $0x0;
	lr =	simm.s32 $0x1  }
0x2: {  	[smem:$0x3F9C] =	sst lr;
	_ =	strace $0xD0000000  }
0x3: {  	_ = 	snop  }
0x4: {  	_ = 	snop  }
0x5: {  	_ = 	snop  }
0x6: {  	_ = 	snop  }
0x7: {  	_ = 	snop  }
__scs_overlays_trampoline_lowered:
0x8: {  	[smem:$0x3FAB] =	sst s0  }
0x9: {  	[smem:$0x3FAC] =	sst s1  }
0xa: {  	[smem:$0x3FAD] =	sst s2  }
0xb: {  	[smem:$0x3FAE] =	sst s3  }
0xc: {  	[smem:$0x3FAF] =	sst s4  }
0xd: {  	[smem:$0x3FB0] =	sst s5  }
0xe: {  	[smem:$0x3FB1] =	sst s6  }
0xf: {  	[smem:$0x3FB2] =	sst s7  }
0x10: {  	[smem:$0x3FB3] =	sst s8  }
0x11: {  	[smem:$0x3FB4] =	sst s9;
	s0 =	simm.s32 @!p0 $0x0  }
0x12: {  	s1 =	sld [smem:$0x3F9A];
	s0 =	simm.s32 @p0 $0x1  }
0x13: {  	[smem:$0x3FB5] =	sst s0;
	s0 =	simm.s32 @!p1 $0x0  }
0x14: {  	s2 =	sld [smem:$0x3F99];
	s0 =	simm.s32 @p1 $0x1  }
0x15: {  	[smem:$0x3FB6] =	sst s0;
	s0 =	simm.s32 @!p2 $0x0  }
0x16: {  	s3 =	sld [smem:$0x3FDB];
	s0 =	simm.s32 @p2 $0x1  }
0x17: {  	s4 =	simm.s32 $0x1BF5;
	[smem:$0x3FB8] =	sst s0  }
0x18: {  	s0 =	sld [smem:$0x3F9B];
	_ =	swait.ge [sflag:s4], $0x0  }
0x19: {  	s7 =	sld [smem:$0x3F9C]  }
0x1a: {  	s8 =	sadd.s32 $0xFFFFE003, lr  }
0x1b: {  	s9 =	sadd.s32 $0xFFFFFEF7, lr;
	s5 =	simm.s32 $0xFFFFFFFF;
	p2 =	slt.u32 s8, $0xFFFFF086  }
0x1c: {  	p1 =	slt.u32 s9, $0xF7A;
	s5 =	simm.s32 @!p2 $0x0  }
0x1d: {  	s5 =	simm.s32 @p1 $0x1;
	p0 =	seq.s32 s7, s2  }
0x1e: {  	s7 =	smul.u32 @!p0 $0xF7A, s2;
	p2 =	seq.s32 @!p0 s5, $0x0  }
0x1f: {  	s9 =	smul.u32 $0xF7A, s1;
	s8 =	simm.s32 @!p0 $0x1BF5;
	p2 =	por !p2, p0  }
0x20: {  	[sflag:s8] =	ssyncset.s32 @!p0 $0xFFFFF086;
	s6 =	sadd.s32 @!p0 s3, s7;
	s7 =	simm.s32 @!p0 $0x108  }
0x21: {  	s3 =	sadd.s32 s3, s9;
	s6 =	sadd.s32 @!p0 $0x88, s6;
	s7 =	simm.s32 @p2 $0x1082  }
0x22: {  	[simem:s7], [sflag:s8] =	dma.local @!p0 [hbm:s6], $0xF7A  }
0x23: {  	s9 =	sor.u32 $0xD0000000, s2;
	s6 =	simm.s32 $0x108;
	_ =	swait.ge @!p0 [sflag:s8], $0x0  }
0x24: {  	s3 =	sadd.s32 $0x88, s3;
	s6 =	simm.s32 @!p1 $0x1082;
	[sflag:s4] =	ssyncset.s32 $0xFFFFF086  }
0x25: {  	[simem:s6], [sflag:s4] =	dma.local [hbm:s3], $0xF7A  }
0x26: {  	[smem:$0x3F9C] =	sst s1;
	(tag) =	ssettag s2;
	_ =	strace s9  }
0x27: {  	s1 =	sld [smem:$0x3FAC]  }
0x28: {  	s2 =	sld [smem:$0x3FAD]  }
0x29: {  	s4 =	sld [smem:$0x3FAF]  }
0x2a: {  	p0 =	seq.s32 s5, $0x0;
	s5 =	sld [smem:$0x3FB0]  }
0x2b: {  	s6 =	sld [smem:$0x3FB1]  }
0x2c: {  	s7 =	sld [smem:$0x3FB2]  }
0x2d: {  	s3 =	simm.s32 $0x108;
	s8 =	sld [smem:$0x3FB3]  }
0x2e: {  	s3 =	simm.s32 @!p0 $0x1082;
	s9 =	sld [smem:$0x3FB4]  }
0x2f: {  	lr =	sadd.s32 s0, s3;
	s0 =	sld [smem:$0x3FAB]  }
0x30: {  	s3 =	sld [smem:$0x3FAE]  }
0x31: {  	[smem:$0x3FB7] =	sst s10  }
0x32: {  	s10 =	sld [smem:$0x3FB5];
	_ =	sdelay $0x3  }
0x33: {  	p0 =	seq.s32 s10, $0x1;
	s10 =	sld [smem:$0x3FB7];
	_ =	sdelay $0x3  }
0x34: {  	[smem:$0x3FB7] =	sst s10  }
0x35: {  	s10 =	sld [smem:$0x3FB6];
	_ =	sdelay $0x3  }
0x36: {  	p1 =	seq.s32 s10, $0x1;
	s10 =	sld [smem:$0x3FB7];
	_ =	sdelay $0x3  }
0x37: {  	[smem:$0x3FB7] =	sst s10  }
0x38: {  	s10 =	sld [smem:$0x3FB8]  }
0x39: {  	_ = 	snop;
	(pc) =	sbr.ind lr, $3  }
0x3a: {  	_ = 	snop  }
0x3b: {  	_ = 	snop  }
0x3c: {  	p2 =	seq.s32 s10, $0x1;
	s10 =	sld [smem:$0x3FB7]  }
0x3d: {  	_ =	shalt  }
0x3e: {  	_ =	shalt  }
0x3f: {  	_ =	shalt  }
0x40: {  	_ =	shalt  }
0x41: {  	_ =	shalt  }
0x42: {  	_ =	shalt  }
0x43: {  	_ =	shalt  }
0x44: {  	_ =	shalt  }
0x45: {  	_ =	shalt  }
0x46: {  	_ =	shalt  }
0x47: {  	_ =	shalt  }
0x48: {  	_ =	shalt  }
0x49: {  	_ =	shalt  }
0x4a: {  	_ =	shalt  }
0x4b: {  	_ =	shalt  }
0x4c: {  	_ =	shalt  }
0x4d: {  	_ =	shalt  }
0x4e: {  	_ =	shalt  }
0x4f: {  	_ =	shalt  }
0x50: {  	_ =	shalt  }
0x51: {  	_ =	shalt  }
0x52: {  	_ =	shalt  }
0x53: {  	_ =	shalt  }
0x54: {  	_ =	shalt  }
0x55: {  	_ =	shalt  }
0x56: {  	_ =	shalt  }
0x57: {  	_ =	shalt  }
0x58: {  	_ =	shalt  }
0x59: {  	_ =	shalt  }
0x5a: {  	_ =	shalt  }
0x5b: {  	_ =	shalt  }
0x5c: {  	_ =	shalt  }
0x5d: {  	_ =	shalt  }
0x5e: {  	_ =	shalt  }
0x5f: {  	_ =	shalt  }
0x60: {  	_ =	shalt  }
0x61: {  	_ =	shalt  }
0x62: {  	_ =	shalt  }
0x63: {  	_ =	shalt  }
0x64: {  	_ =	shalt  }
0x65: {  	_ =	shalt  }
0x66: {  	_ =	shalt  }
0x67: {  	_ =	shalt  }
0x68: {  	_ =	shalt  }
0x69: {  	_ =	shalt  }
0x6a: {  	_ =	shalt  }
0x6b: {  	_ =	shalt  }
0x6c: {  	_ =	shalt  }
0x6d: {  	_ =	shalt  }
0x6e: {  	_ =	shalt  }
0x6f: {  	_ =	shalt  }
0x70: {  	_ =	shalt  }
0x71: {  	_ =	shalt  }
0x72: {  	_ =	shalt  }
0x73: {  	_ =	shalt  }
0x74: {  	_ =	shalt  }
0x75: {  	_ =	shalt  }
0x76: {  	_ =	shalt  }
0x77: {  	_ =	shalt  }
0x78: {  	_ =	shalt  }
0x79: {  	_ =	shalt  }
0x7a: {  	_ =	shalt  }
0x7b: {  	_ =	shalt  }
0x7c: {  	_ =	shalt  }
0x7d: {  	_ =	shalt  }
0x7e: {  	_ =	shalt  }
0x7f: {  	_ =	shalt  }
0x80: {  	_ =	shalt  }
0x81: {  	_ =	shalt  }
0x82: {  	_ =	shalt  }
0x83: {  	_ =	shalt  }
0x84: {  	_ =	shalt  }
0x85: {  	_ =	shalt  }
0x86: {  	_ =	shalt  }
0x87: {  	_ =	shalt  }
.Lfunc_end0:
.L_simem_size_0:
called_computation.1_lowered:
.L_overlay_start_0:
0x88: {  	s2 =	sld [smem:$0x3FD9]  }
0x89: {  	s3 =	sld [smem:$0x3FFE];
	_ =	sdelay $0x1  }
0x8a: {  	s1 =	srdreg.scid  }
0x8b: {  	s0 =	sand.u32 $0x1, s1  }
0x8c: {  	s14 =	sshll.u32 s0, $0xA;
	s2 =	sadd.s32 s3, s2  }
0x8d: {  	s2 =	sadd.s32 s2, s14  }
0x8e: {  	[smem:$0x3FC3] =	sst s2  }
0x8f: {  	_ = 	snop  }
0x90: {  	s2 =	sld [smem:$0x3FD0];
	_ =	sdelay $0x2  }
0x91: {  	s15 =	simm.s32 $0xA;
	s4 =	simm.s32 $0x10  }
0x92: {  	[smem:s4], [sflag:s15] =	dma.local [hbm:s2], $0x1  }
0x93: {  	_ =	swait.eq [sflag:s15], $0x1  }
0x94: {  	[sflag:s15] =	ssyncset.done $0x0  }
0x95: {  	[sflag:s15] =	ssyncadd.s32 $0xFFFFFFFF  }
0x96: {  	s16 =	sld [smem:$0x10];
	(tm) =	ssettm $0x1  }
0x97: {  	s17 =	sld [smem:$0x3FFB];
	_ =	sdelay $0x3  }
0x98: {  	_ =	strace s17  }
0x99: {  	s3 =	sld [smem:$0x3FFC];
	_ =	sdelay $0x3  }
0x9a: {  	_ =	strace s3  }
0x9b: {  	s3 =	sld [smem:$0x3FFD];
	_ =	sdelay $0x3  }
0x9c: {  	_ =	strace s3  }
0x9d: {  	_ =	strace $0x8FFFFFFF  }
0x9e: {  	s18 =	sld [smem:$0x3FDB];
	_ =	sdelay $0x1  }
0x9f: {  	s19 =	simm.s32 $_scs_section_size  }
0xa0: {  	s5 =	simm.s32 $_size__tile_overlayer_lowered;
	s6 =	simm.s32 $_tile_overlayer_lowered  }
0xa1: {  	s22 =	simm.s32 $0x1BFF;
	s21 =	sshll.u32 s6, $0x1;
	s3 =	sadd.s32 s19, s18  }
0xa2: {  	s7 =	simm.s32 $0x0;
	s20 =	sshll.u32 s5, $0x1;
	s5 =	sadd.s32 s21, s3  }
0xa3: {  	[timem:s7], [sflag:s22] =	dma.local [hbm:s5], s20  }
0xa4: {  	_ =	swait.ge [sflag:s22], s20  }
0xa5: {  	s4 =	ssub.s32 $0x0, s20;
	[sflag:s22] =	ssyncset.done $0x0  }
0xa6: {  	[sflag:s22] =	ssyncadd.s32 s4;
	_ =	sdelay $0x1  }
0xa7: {  	s23 =	simm.s32 $0x1B8B  }
0xa8: {  	_ =	swait.ge [sflag:s23], $0x1  }
0xa9: {  	[sflag:s23] =	ssyncset.done $0x0  }
0xaa: {  	s25 =	simm.s32 $0x1B8E;
	s24 =	sld [smem:$0x3FFE];
	[sflag:s23] =	ssyncadd.s32 $0xFFFFFFFF  }
0xab: {  	s26 =	simm.s32 $execute0_lowered;
	[smem:$0x3FD2] =	sst s25  }
0xac: {  	s5 =	sshll.u32 s26, $0x1;
	_ =	strace $0x80000049;
	[dreg:$0x1] =	wrdreg $0xFFFFFFFF  }
0xad: {  	s28 =	simm.s32 $_size_execute0_lowered;
	s3 =	sadd.s32 s3, s5;
	[dreg:$0x0] =	wrdreg $0x0  }
0xae: {  	s5 =	sshll.u32 s28, $0x1;
	[dreg:$0x2] =	wrdreg s3  }
0xaf: {  	[dreg:$0x3] =	wrdreg s5  }
0xb0: {  	[dreg:$0x4] =	wrdreg $0xC0  }
0xb1: {  	_ =	task [dreg:s7], $0x5FFFF  }
0xb2: {  	[dreg:$0x1] =	wrdreg $0xFFFFFFFF  }
0xb3: {  	[dreg:$0x0] =	wrdreg $0x60  }
0xb4: {  	[dreg:$0x2] =	wrdreg s24  }
0xb5: {  	[dreg:$0x3] =	wrdreg s16  }
0xb6: {  	[dreg:$0x4] =	wrdreg $0x9  }
0xb7: {  	_ =	task.clear_ibuf [dreg:s7], $0x5FFFF;
	_ =	strace $0x90000049  }
0xb8: {  	s29 =	simm.s32 $0x9;
	_ =	strace $0x8000004B  }
0xb9: {  	_ =	swait.ge [sflag:s29], $0x1  }
0xba: {  	[sflag:s29] =	ssyncadd.s32 $0xFFFFFFFF  }
0xbb: {  	_ =	strace $0x9000004B  }
0xbc: {  	_ =	sfence  }
0xbd: {  	s30 =	sld [smem:$0x0];
	_ =	sdelay $0x2  }
0xbe: {  	s31 =	sshll.u32 s1, $0xD;
	s1 =	sshrl.u32 s1, $0x2  }
0xbf: {  	s3 =	sand.u32 $0x4000, s31;
	s1 =	sadd.s32 s1, s30  }
0xc0: {  	s0 =	sor.u32 s3, s0;
	s1 =	sshll.u32 s1, $0x11  }
0xc1: {  	s0 =	sor.u32 s1, s0  }
0xc2: {  	s0 =	sadd.s32 $0x8F2B, s0  }
0xc3: {  	[sflag:s0] =	ssyncadd.remote.s32 $0x1  }
0xc4: {  	_ =	sfence.sel $0xFFFF  }
0xc5: {  	[dreg:$0x0] =	wrdreg $0xFFFFFFFF;
	(pc) =	sbr.abs _section_cstart, $3  }
0xc6: {  	[dreg:$0x1] =	wrdreg $0xFFFFFFFF  }
0xc7: {  	_ =	task.clear_ibuf [dreg:s7], $0x2FFFF;
	_ =	strace $0x9FFFFFFF  }
0xc8: {  	(tm) =	ssettm $0x7FFFFFFF  }
0xc9: {  	_ =	shalt  }
tec
execute0_lowered:
.L_overlay_start_1:
0x0: {  	(tag) =	ssettag $0x1  }
0x1: {  	s6 =	rddreg [dreg:$0x0]  }
0x2: {  	s1 =	rddreg [dreg:$0x1]  }
0x3: {  	s0 =	rddreg [dreg:$0x2];
	s2 =	simm.s32 $0x0  }
0x4: {  	s3 =	srdreg.scid;
	s10 =	simm.s32 $0x14000;
	s11 =	simm.s32 $0x2  }
0x5: {  	s12 =	simm.s32 $0xC80;
	s13 =	simm.s32 $0xF00;
	s14 =	simm.s32 $0x1  }
0x6: {  	s15 =	simm.s32 $0x14F00;
	s16 =	simm.s32 $0x20;
	s17 =	simm.s32 $0x1000  }
0x7: {  	[smem:$0x7FF] =	sst s2;
	s7 =	sand.u32 $0x1, s3;
	s4 =	sadd.s32 $0x1EA200, s6  }
0x8: {  	s5 =	sadd.s32 $0x1C00, s6;
	s3 =	stileid.u32;
	s8 =	ssub.s32 $0x2, s7  }
0x9: {  	s6 =	sadd.s32 $0x1F6A00, s6;
	_ =	strace $0x8000004A;
	s9 =	sshrl.u32 s8, $0x1  }
0xa: {  	v0 =	vlaneseq.u32;
	s31 =	sshll.u32 s3, $0x8;
	s7 =	sshll.u32 s7, $0x7;
	s8 =	ssub.s32 s8, s9  }
0xb: {  	v0 =	vmul.u32 $0x80, v0;
	s7 =	sor.u32 s7, s31;
	s9 =	simm.s32 $0x280;
	s8 =	smax.u32 s8, $0x1  }
.LBB2_1:
0xc: {  	s18 =	simm.s32 $0x0  }
.LBB2_2:
0xd: {  	s19 =	sshll.u32 s18, $0x5  }
0xe: {  	s19 =	sadd.s32 s7, s19  }
0xf: {  	s20 =	smul.u32 $0x14, s19;
	_ =	sdelay $0x1  }
0x10: {  	s20 =	sshrl.u32 s20, $0x3  }
0x11: {  	s21 =	simm.s32 $0x0;
	s20 =	sadd.s32 s4, s20  }
0x12: {  	[tilespmem:s21], [sflag:$0x2] =	stream.strided.gather [hbm4b:s20+s9], $0xC80, s10, s9, $0x38;
	[tilespmem:$0x1C700] =	vst v63  }
0x13: {  	_ =	swait.ge [sflag:s11], $0xC80  }
0x14: {  	[sflag:s11] =	ssyncset.done $0x0  }
0x15: {  	s20 =	simm.s32 $0x0;
	[sflag:s11] =	ssyncadd.s32 $0xFFFFF380  }
0x16: {  	s21 =	simm.s32 $0x40;
	v1 =	vld [tilespmem:s20+$0x0]  }
.LBB2_3:
0x17: {  	p0 =	sne.s32 s21, $0x9C0  }
.Ltmp0:
0x18: {  	_ = 	snop;
	(pc) =	sbr.rel @p0 .LBB2_3-.Ltmp0, $3  }
0x19: {  	_ =	sdelay $0x1  }
0x1a: {  	s22 =	sshra.s32 s21, $0x2;
	s21 =	sadd.s32 $0x40, s21;
	v2 =	vshra.s32 v1, $0x3  }
0x1b: {  	v1 =	vld [tilespmem:s22+$0x0];
	[tilespmem:s20+$0xC80] =	vst v2;
	s20 =	smov.u32 s22  }
0x1c: {  	_ =	sdelay $0x3  }
0x1d: {  	v1 =	vshra.s32 v1, $0x3  }
0x1e: {  	[tilespmem:s20+$0xC80] =	vst v1  }
0x1f: {  	[tilespmem:s13], [sflag:$0x1] =	stream.indirect.gather [hbm4b:s5+s9], $0x80, s12, s9, $0xb8;
	[tilespmem:$0x1C700] =	vst v63  }
0x20: {  	_ =	swait.ge [sflag:s14], $0x14000  }
0x21: {  	[sflag:s14] =	ssyncset.done $0x0  }
0x22: {  	s20 =	simm.s32 $0x780;
	[sflag:s14] =	ssyncadd.s32 $0xFFFEC000  }
0x23: {  	v1 =	vld [tilespmem:s20+$0xFFFFF880];
	_ =	sdelay $0x2  }
0x24: {  	s21 =	simm.s32 $0x0  }
0x25: {  	v2 =	vmov s21;
	v3 =	vld [tilespmem:s20+$0x280]  }
0x26: {  	v2 =	vshll.u32 v2, $0x7;
	v4 =	vld [tilespmem:s20+$0x0];
	v1 =	vshll.u32 v1, $0x4  }
0x27: {  	v2 =	vor.u32 v0, v2;
	v1 =	vand.u32 $0x70, v1  }
0x28: {  	v2 =	vor.u32 v2, v1  }
0x29: {  	v1 =	vmov s19  }
0x2a: {  	v5 =	vsub.s32 v3, v1  }
0x2b: {  	v4 =	vshll.u32 v4, $0x5;
	v5 =	vand.u32 $0xFFFFFFF8, v5  }
0x2c: {  	v3 =	vand.u32 $0x7, v3;
	v4 =	vadd.s32 v4, v5  }
0x2d: {  	v3 =	vor.u32 v3, v4;
	v5 =	vld.idx.msk [tilespmem:v2+s13+$0x0], $0xffff  }
0x2e: {  	v4 =	vor.u32 $0x1, v2;
	_ =	sdelay $0x3  }
0x2f: {  	[tilespmem:v3+s15+$0x0] =	vst.idx.msk $0xffff, v5  }
0x30: {  	v5 =	vadd.s32 $0x20, v3;
	v4 =	vld.idx.msk [tilespmem:v4+s13+$0x0], $0xffff  }
0x31: {  	v6 =	vor.u32 $0x2, v2;
	_ =	sdelay $0x3  }
0x32: {  	[tilespmem:v5+s15+$0x0] =	vst.idx.msk $0xffff, v4  }
0x33: {  	v5 =	vadd.s32 $0x40, v3;
	v4 =	vld.idx.msk [tilespmem:v6+s13+$0x0], $0xffff  }
0x34: {  	v52 =	vor.u32 $0x3, v2;
	_ =	sdelay $0x3  }
0x35: {  	[tilespmem:v5+s15+$0x0] =	vst.idx.msk $0xffff, v4  }
0x36: {  	v5 =	vadd.s32 $0x60, v3;
	v4 =	vld.idx.msk [tilespmem:v52+s13+$0x0], $0xffff  }
0x37: {  	v53 =	vor.u32 $0x4, v2;
	_ =	sdelay $0x3  }
0x38: {  	[tilespmem:v5+s15+$0x0] =	vst.idx.msk $0xffff, v4  }
0x39: {  	v5 =	vadd.s32 $0x80, v3;
	v4 =	vld.idx.msk [tilespmem:v53+s13+$0x0], $0xffff  }
0x3a: {  	v54 =	vor.u32 $0x5, v2;
	_ =	sdelay $0x3  }
0x3b: {  	[tilespmem:v5+s15+$0x0] =	vst.idx.msk $0xffff, v4  }
0x3c: {  	v5 =	vadd.s32 $0xA0, v3;
	v4 =	vld.idx.msk [tilespmem:v54+s13+$0x0], $0xffff  }
0x3d: {  	v55 =	vor.u32 $0x6, v2;
	_ =	sdelay $0x3  }
0x3e: {  	[tilespmem:v5+s15+$0x0] =	vst.idx.msk $0xffff, v4  }
0x3f: {  	v5 =	vadd.s32 $0xC0, v3;
	v4 =	vld.idx.msk [tilespmem:v55+s13+$0x0], $0xffff  }
0x40: {  	v56 =	vor.u32 $0x7, v2;
	_ =	sdelay $0x3  }
0x41: {  	[tilespmem:v5+s15+$0x0] =	vst.idx.msk $0xffff, v4  }
0x42: {  	v5 =	vadd.s32 $0xE0, v3;
	v4 =	vld.idx.msk [tilespmem:v56+s13+$0x0], $0xffff  }
0x43: {  	v57 =	vor.u32 $0x8, v2;
	_ =	sdelay $0x3  }
0x44: {  	[tilespmem:v5+s15+$0x0] =	vst.idx.msk $0xffff, v4  }
0x45: {  	v5 =	vadd.s32 $0x100, v3;
	v4 =	vld.idx.msk [tilespmem:v57+s13+$0x0], $0xffff  }
0x46: {  	v58 =	vor.u32 $0x9, v2;
	_ =	sdelay $0x3  }
0x47: {  	[tilespmem:v5+s15+$0x0] =	vst.idx.msk $0xffff, v4  }
0x48: {  	v5 =	vadd.s32 $0x120, v3;
	v4 =	vld.idx.msk [tilespmem:v58+s13+$0x0], $0xffff  }
0x49: {  	v59 =	vor.u32 $0xA, v2;
	_ =	sdelay $0x3  }
0x4a: {  	[tilespmem:v5+s15+$0x0] =	vst.idx.msk $0xffff, v4  }
0x4b: {  	v5 =	vadd.s32 $0x140, v3;
	v4 =	vld.idx.msk [tilespmem:v59+s13+$0x0], $0xffff  }
0x4c: {  	v60 =	vor.u32 $0xB, v2;
	_ =	sdelay $0x3  }
0x4d: {  	[tilespmem:v5+s15+$0x0] =	vst.idx.msk $0xffff, v4  }
0x4e: {  	v5 =	vadd.s32 $0x160, v3;
	v4 =	vld.idx.msk [tilespmem:v60+s13+$0x0], $0xffff  }
0x4f: {  	v61 =	vor.u32 $0xC, v2;
	_ =	sdelay $0x3  }
0x50: {  	[tilespmem:v5+s15+$0x0] =	vst.idx.msk $0xffff, v4  }
0x51: {  	v5 =	vadd.s32 $0x180, v3;
	v4 =	vld.idx.msk [tilespmem:v61+s13+$0x0], $0xffff  }
0x52: {  	v62 =	vor.u32 $0xD, v2;
	_ =	sdelay $0x3  }
0x53: {  	[tilespmem:v5+s15+$0x0] =	vst.idx.msk $0xffff, v4  }
0x54: {  	v5 =	vadd.s32 $0x1A0, v3;
	v4 =	vld.idx.msk [tilespmem:v62+s13+$0x0], $0xffff  }
0x55: {  	v63 =	vor.u32 $0xE, v2;
	_ =	sdelay $0x3  }
0x56: {  	[tilespmem:v5+s15+$0x0] =	vst.idx.msk $0xffff, v4  }
0x57: {  	v5 =	vadd.s32 $0x1C0, v3;
	v4 =	vld.idx.msk [tilespmem:v63+s13+$0x0], $0xffff  }
0x58: {  	v2 =	vor.u32 $0xF, v2;
	_ =	sdelay $0x3  }
0x59: {  	[tilespmem:v5+s15+$0x0] =	vst.idx.msk $0xffff, v4  }
0x5a: {  	s21 =	simm.s32 $0x10;
	v3 =	vadd.s32 $0x1E0, v3;
	v2 =	vld.idx.msk [tilespmem:v2+s13+$0x0], $0xffff  }
.LBB2_5:
0x5b: {  	_ =	sdelay $0x2  }
0x5c: {  	p0 =	sne.s32 s21, $0x270  }
0x5d: {  	s20 =	sadd.s32 $0x10, s20;
	s22 =	smov.u32 s21;
	s21 =	sadd.s32 $0x10, s21;
	[tilespmem:v3+s15+$0x0] =	vst.idx.msk $0xffff, v2  }
0x5e: {  	v2 =	vld [tilespmem:s20+$0xFFFFF880];
	_ =	sdelay $0x3  }
0x5f: {  	v3 =	vmov s22  }
0x60: {  	v3 =	vshll.u32 v3, $0x7;
	v2 =	vshll.u32 v2, $0x4;
	v4 =	vld [tilespmem:s20+$0x280]  }
0x61: {  	v3 =	vor.u32 v0, v3;
	v2 =	vand.u32 $0x70, v2;
	v5 =	vld [tilespmem:s20+$0x0]  }
0x62: {  	v2 =	vor.u32 v3, v2;
	_ =	sdelay $0x2  }
0x63: {  	v3 =	vsub.s32 v4, v1  }
0x64: {  	v3 =	vand.u32 $0xFFFFFFF8, v3;
	v5 =	vshll.u32 v5, $0x5  }
0x65: {  	v4 =	vand.u32 $0x7, v4;
	v6 =	vld.idx.msk [tilespmem:v2+s13+$0x0], $0xffff;
	v3 =	vadd.s32 v5, v3  }
0x66: {  	v3 =	vor.u32 v4, v3  }
0x67: {  	v4 =	vor.u32 $0x1, v2;
	_ =	sdelay $0x3  }
0x68: {  	[tilespmem:v3+s15+$0x0] =	vst.idx.msk $0xffff, v6  }
0x69: {  	v4 =	vld.idx.msk [tilespmem:v4+s13+$0x0], $0xffff  }
0x6a: {  	v5 =	vadd.s32 $0x20, v3  }
0x6b: {  	v6 =	vor.u32 $0x2, v2;
	_ =	sdelay $0x3  }
0x6c: {  	[tilespmem:v5+s15+$0x0] =	vst.idx.msk $0xffff, v4  }
0x6d: {  	v4 =	vld.idx.msk [tilespmem:v6+s13+$0x0], $0xffff  }
0x6e: {  	v5 =	vadd.s32 $0x40, v3  }
0x6f: {  	v6 =	vor.u32 $0x3, v2;
	_ =	sdelay $0x3  }
0x70: {  	[tilespmem:v5+s15+$0x0] =	vst.idx.msk $0xffff, v4  }
0x71: {  	v4 =	vld.idx.msk [tilespmem:v6+s13+$0x0], $0xffff  }
0x72: {  	v5 =	vadd.s32 $0x60, v3  }
0x73: {  	v6 =	vor.u32 $0x4, v2;
	_ =	sdelay $0x3  }
0x74: {  	[tilespmem:v5+s15+$0x0] =	vst.idx.msk $0xffff, v4  }
0x75: {  	v4 =	vld.idx.msk [tilespmem:v6+s13+$0x0], $0xffff  }
0x76: {  	v5 =	vadd.s32 $0x80, v3  }
0x77: {  	v6 =	vor.u32 $0x5, v2;
	_ =	sdelay $0x3  }
0x78: {  	[tilespmem:v5+s15+$0x0] =	vst.idx.msk $0xffff, v4  }
0x79: {  	v4 =	vld.idx.msk [tilespmem:v6+s13+$0x0], $0xffff  }
0x7a: {  	v5 =	vadd.s32 $0xA0, v3  }
0x7b: {  	v6 =	vor.u32 $0x6, v2;
	_ =	sdelay $0x3  }
0x7c: {  	[tilespmem:v5+s15+$0x0] =	vst.idx.msk $0xffff, v4  }
0x7d: {  	v4 =	vld.idx.msk [tilespmem:v6+s13+$0x0], $0xffff  }
0x7e: {  	v5 =	vadd.s32 $0xC0, v3  }
0x7f: {  	v6 =	vor.u32 $0x7, v2;
	_ =	sdelay $0x3  }
0x80: {  	[tilespmem:v5+s15+$0x0] =	vst.idx.msk $0xffff, v4  }
0x81: {  	v4 =	vld.idx.msk [tilespmem:v6+s13+$0x0], $0xffff  }
0x82: {  	v5 =	vadd.s32 $0xE0, v3  }
0x83: {  	v6 =	vor.u32 $0x8, v2;
	_ =	sdelay $0x3  }
0x84: {  	[tilespmem:v5+s15+$0x0] =	vst.idx.msk $0xffff, v4  }
0x85: {  	v4 =	vld.idx.msk [tilespmem:v6+s13+$0x0], $0xffff  }
0x86: {  	v5 =	vadd.s32 $0x100, v3  }
0x87: {  	v6 =	vor.u32 $0x9, v2;
	_ =	sdelay $0x3  }
0x88: {  	[tilespmem:v5+s15+$0x0] =	vst.idx.msk $0xffff, v4  }
0x89: {  	v4 =	vld.idx.msk [tilespmem:v6+s13+$0x0], $0xffff  }
0x8a: {  	v5 =	vadd.s32 $0x120, v3  }
0x8b: {  	v6 =	vor.u32 $0xA, v2;
	_ =	sdelay $0x3  }
0x8c: {  	[tilespmem:v5+s15+$0x0] =	vst.idx.msk $0xffff, v4  }
0x8d: {  	v4 =	vld.idx.msk [tilespmem:v6+s13+$0x0], $0xffff  }
0x8e: {  	v5 =	vadd.s32 $0x140, v3  }
0x8f: {  	v6 =	vor.u32 $0xB, v2;
	_ =	sdelay $0x3  }
0x90: {  	[tilespmem:v5+s15+$0x0] =	vst.idx.msk $0xffff, v4  }
0x91: {  	v4 =	vld.idx.msk [tilespmem:v6+s13+$0x0], $0xffff  }
0x92: {  	v5 =	vadd.s32 $0x160, v3  }
0x93: {  	v6 =	vor.u32 $0xC, v2;
	_ =	sdelay $0x3  }
0x94: {  	[tilespmem:v5+s15+$0x0] =	vst.idx.msk $0xffff, v4  }
0x95: {  	v4 =	vld.idx.msk [tilespmem:v6+s13+$0x0], $0xffff  }
0x96: {  	v5 =	vadd.s32 $0x180, v3  }
0x97: {  	v6 =	vor.u32 $0xD, v2;
	_ =	sdelay $0x3  }
0x98: {  	[tilespmem:v5+s15+$0x0] =	vst.idx.msk $0xffff, v4  }
0x99: {  	v4 =	vld.idx.msk [tilespmem:v6+s13+$0x0], $0xffff  }
0x9a: {  	v5 =	vadd.s32 $0x1A0, v3  }
0x9b: {  	v6 =	vor.u32 $0xE, v2;
	_ =	sdelay $0x3  }
0x9c: {  	[tilespmem:v5+s15+$0x0] =	vst.idx.msk $0xffff, v4  }
0x9d: {  	v4 =	vld.idx.msk [tilespmem:v6+s13+$0x0], $0xffff  }
0x9e: {  	v5 =	vadd.s32 $0x1C0, v3  }
0x9f: {  	v2 =	vor.u32 $0xF, v2;
	_ =	sdelay $0x1  }
.Ltmp1:
0xa0: {  	(pc) =	sbr.rel @p0 .LBB2_5-.Ltmp1, $4  }
0xa1: {  	_ = 	snop  }
0xa2: {  	[tilespmem:v5+s15+$0x0] =	vst.idx.msk $0xffff, v4  }
0xa3: {  	v2 =	vld.idx.msk [tilespmem:v2+s13+$0x0], $0xffff  }
0xa4: {  	v3 =	vadd.s32 $0x1E0, v3  }
0xa5: {  	_ =	sdelay $0x3  }
0xa6: {  	s20 =	simm.s32 $0x0;
	[tilespmem:v3+s15+$0x0] =	vst.idx.msk $0xffff, v2  }
0xa7: {  	s21 =	simm.s32 $0x40;
	v2 =	vld [tilespmem:s20+$0x280]  }
.LBB2_7:
0xa8: {  	p0 =	sne.s32 s21, $0x9C0  }
.Ltmp2:
0xa9: {  	_ = 	snop;
	(pc) =	sbr.rel @p0 .LBB2_7-.Ltmp2, $3  }
0xaa: {  	_ =	sdelay $0x1  }
0xab: {  	s22 =	sshra.s32 s21, $0x2;
	s21 =	sadd.s32 $0x40, s21;
	v3 =	vshra.s32 v2, $0x3  }
0xac: {  	v2 =	vld [tilespmem:s22+$0x280];
	[tilespmem:s20+$0xC80] =	vst v3;
	s20 =	smov.u32 s22  }
0xad: {  	_ =	sdelay $0x3  }
0xae: {  	v2 =	vshra.s32 v2, $0x3  }
0xaf: {  	[tilespmem:s20+$0xC80] =	vst v2  }
0xb0: {  	[tilespmem:s13], [sflag:$0x1] =	stream.indirect.gather [hbm4b:s1+s9], $0x80, s12, s9, $0xb8;
	[tilespmem:$0x1C700] =	vst v63  }
0xb1: {  	_ =	swait.ge [sflag:s14], $0x14000  }
0xb2: {  	[sflag:s14] =	ssyncset.done $0x0  }
0xb3: {  	s20 =	simm.s32 $0xA00;
	[sflag:s14] =	ssyncadd.s32 $0xFFFEC000  }
0xb4: {  	v2 =	vld [tilespmem:s20+$0xFFFFF880];
	_ =	sdelay $0x2  }
0xb5: {  	s21 =	simm.s32 $0x0;
	v3 =	vld [tilespmem:s20+$0x0]  }
0xb6: {  	v4 =	vmov s21;
	v5 =	vld [tilespmem:s20+$0xFFFFFD80]  }
0xb7: {  	v4 =	vshll.u32 v4, $0x7;
	v2 =	vshll.u32 v2, $0x4  }
0xb8: {  	v4 =	vor.u32 v0, v4;
	v2 =	vand.u32 $0x70, v2  }
0xb9: {  	v2 =	vor.u32 v4, v2  }
0xba: {  	v4 =	vsub.s32 v3, v1  }
0xbb: {  	v5 =	vshll.u32 v5, $0x5;
	v4 =	vand.u32 $0xFFFFFFF8, v4  }
0xbc: {  	v3 =	vand.u32 $0x7, v3;
	v4 =	vadd.s32 v5, v4  }
0xbd: {  	v3 =	vor.u32 v3, v4  }
0xbe: {  	v5 =	vadd.s32 $0x200, v3;
	v4 =	vld.idx.msk [tilespmem:v2+s13+$0x0], $0xffff  }
0xbf: {  	v6 =	vor.u32 $0x1, v2;
	_ =	sdelay $0x3  }
0xc0: {  	[tilespmem:v5+s15+$0x0] =	vst.idx.msk $0xffff, v4  }
0xc1: {  	v5 =	vadd.s32 $0x220, v3;
	v4 =	vld.idx.msk [tilespmem:v6+s13+$0x0], $0xffff  }
0xc2: {  	v51 =	vor.u32 $0x2, v2;
	_ =	sdelay $0x3  }
0xc3: {  	[tilespmem:v5+s15+$0x0] =	vst.idx.msk $0xffff, v4  }
0xc4: {  	v5 =	vadd.s32 $0x240, v3;
	v4 =	vld.idx.msk [tilespmem:v51+s13+$0x0], $0xffff  }
0xc5: {  	v52 =	vor.u32 $0x3, v2;
	_ =	sdelay $0x3  }
0xc6: {  	[tilespmem:v5+s15+$0x0] =	vst.idx.msk $0xffff, v4  }
0xc7: {  	v5 =	vadd.s32 $0x260, v3;
	v4 =	vld.idx.msk [tilespmem:v52+s13+$0x0], $0xffff  }
0xc8: {  	v53 =	vor.u32 $0x4, v2;
	_ =	sdelay $0x3  }
0xc9: {  	[tilespmem:v5+s15+$0x0] =	vst.idx.msk $0xffff, v4  }
0xca: {  	v5 =	vadd.s32 $0x280, v3;
	v4 =	vld.idx.msk [tilespmem:v53+s13+$0x0], $0xffff  }
0xcb: {  	v54 =	vor.u32 $0x5, v2;
	_ =	sdelay $0x3  }
0xcc: {  	[tilespmem:v5+s15+$0x0] =	vst.idx.msk $0xffff, v4  }
0xcd: {  	v5 =	vadd.s32 $0x2A0, v3;
	v4 =	vld.idx.msk [tilespmem:v54+s13+$0x0], $0xffff  }
0xce: {  	v55 =	vor.u32 $0x6, v2;
	_ =	sdelay $0x3  }
0xcf: {  	[tilespmem:v5+s15+$0x0] =	vst.idx.msk $0xffff, v4  }
0xd0: {  	v5 =	vadd.s32 $0x2C0, v3;
	v4 =	vld.idx.msk [tilespmem:v55+s13+$0x0], $0xffff  }
0xd1: {  	v56 =	vor.u32 $0x7, v2;
	_ =	sdelay $0x3  }
0xd2: {  	[tilespmem:v5+s15+$0x0] =	vst.idx.msk $0xffff, v4  }
0xd3: {  	v5 =	vadd.s32 $0x2E0, v3;
	v4 =	vld.idx.msk [tilespmem:v56+s13+$0x0], $0xffff  }
0xd4: {  	v57 =	vor.u32 $0x8, v2;
	_ =	sdelay $0x3  }
0xd5: {  	[tilespmem:v5+s15+$0x0] =	vst.idx.msk $0xffff, v4  }
0xd6: {  	v5 =	vadd.s32 $0x300, v3;
	v4 =	vld.idx.msk [tilespmem:v57+s13+$0x0], $0xffff  }
0xd7: {  	v58 =	vor.u32 $0x9, v2;
	_ =	sdelay $0x3  }
0xd8: {  	[tilespmem:v5+s15+$0x0] =	vst.idx.msk $0xffff, v4  }
0xd9: {  	v5 =	vadd.s32 $0x320, v3;
	v4 =	vld.idx.msk [tilespmem:v58+s13+$0x0], $0xffff  }
0xda: {  	v59 =	vor.u32 $0xA, v2;
	_ =	sdelay $0x3  }
0xdb: {  	[tilespmem:v5+s15+$0x0] =	vst.idx.msk $0xffff, v4  }
0xdc: {  	v5 =	vadd.s32 $0x340, v3;
	v4 =	vld.idx.msk [tilespmem:v59+s13+$0x0], $0xffff  }
0xdd: {  	v60 =	vor.u32 $0xB, v2;
	_ =	sdelay $0x3  }
0xde: {  	[tilespmem:v5+s15+$0x0] =	vst.idx.msk $0xffff, v4  }
0xdf: {  	v5 =	vadd.s32 $0x360, v3;
	v4 =	vld.idx.msk [tilespmem:v60+s13+$0x0], $0xffff  }
0xe0: {  	v61 =	vor.u32 $0xC, v2;
	_ =	sdelay $0x3  }
0xe1: {  	[tilespmem:v5+s15+$0x0] =	vst.idx.msk $0xffff, v4  }
0xe2: {  	v5 =	vadd.s32 $0x380, v3;
	v4 =	vld.idx.msk [tilespmem:v61+s13+$0x0], $0xffff  }
0xe3: {  	v62 =	vor.u32 $0xD, v2;
	_ =	sdelay $0x3  }
0xe4: {  	[tilespmem:v5+s15+$0x0] =	vst.idx.msk $0xffff, v4  }
0xe5: {  	v5 =	vadd.s32 $0x3A0, v3;
	v4 =	vld.idx.msk [tilespmem:v62+s13+$0x0], $0xffff  }
0xe6: {  	v63 =	vor.u32 $0xE, v2;
	_ =	sdelay $0x3  }
0xe7: {  	[tilespmem:v5+s15+$0x0] =	vst.idx.msk $0xffff, v4  }
0xe8: {  	v5 =	vadd.s32 $0x3C0, v3;
	v4 =	vld.idx.msk [tilespmem:v63+s13+$0x0], $0xffff  }
0xe9: {  	v2 =	vor.u32 $0xF, v2;
	_ =	sdelay $0x3  }
0xea: {  	[tilespmem:v5+s15+$0x0] =	vst.idx.msk $0xffff, v4  }
0xeb: {  	s21 =	simm.s32 $0x10;
	v3 =	vadd.s32 $0x3E0, v3;
	v2 =	vld.idx.msk [tilespmem:v2+s13+$0x0], $0xffff  }
.LBB2_9:
0xec: {  	_ =	sdelay $0x2  }
0xed: {  	p0 =	sne.s32 s21, $0x270  }
0xee: {  	s20 =	sadd.s32 $0x10, s20;
	s22 =	smov.u32 s21;
	s21 =	sadd.s32 $0x10, s21;
	[tilespmem:v3+s15+$0x0] =	vst.idx.msk $0xffff, v2  }
0xef: {  	v2 =	vld [tilespmem:s20+$0xFFFFF880];
	_ =	sdelay $0x3  }
0xf0: {  	v3 =	vmov s22;
	v4 =	vld [tilespmem:s20+$0x0]  }
0xf1: {  	v3 =	vshll.u32 v3, $0x7;
	v2 =	vshll.u32 v2, $0x4;
	v5 =	vld [tilespmem:s20+$0xFFFFFD80]  }
0xf2: {  	v3 =	vor.u32 v0, v3;
	v2 =	vand.u32 $0x70, v2  }
0xf3: {  	v2 =	vor.u32 v3, v2;
	_ =	sdelay $0x1  }
0xf4: {  	v3 =	vsub.s32 v4, v1  }
0xf5: {  	v3 =	vand.u32 $0xFFFFFFF8, v3;
	v5 =	vshll.u32 v5, $0x5  }
0xf6: {  	v4 =	vand.u32 $0x7, v4;
	v3 =	vadd.s32 v5, v3  }
0xf7: {  	v5 =	vld.idx.msk [tilespmem:v2+s13+$0x0], $0xffff;
	v3 =	vor.u32 v4, v3  }
0xf8: {  	v4 =	vadd.s32 $0x200, v3  }
0xf9: {  	v6 =	vor.u32 $0x1, v2;
	_ =	sdelay $0x3  }
0xfa: {  	[tilespmem:v4+s15+$0x0] =	vst.idx.msk $0xffff, v5  }
0xfb: {  	v4 =	vld.idx.msk [tilespmem:v6+s13+$0x0], $0xffff  }
0xfc: {  	v5 =	vadd.s32 $0x220, v3  }
0xfd: {  	v6 =	vor.u32 $0x2, v2;
	_ =	sdelay $0x3  }
0xfe: {  	[tilespmem:v5+s15+$0x0] =	vst.idx.msk $0xffff, v4  }
0xff: {  	v4 =	vld.idx.msk [tilespmem:v6+s13+$0x0], $0xffff  }
0x100: {  	v5 =	vadd.s32 $0x240, v3  }
0x101: {  	v6 =	vor.u32 $0x3, v2;
	_ =	sdelay $0x3  }
0x102: {  	[tilespmem:v5+s15+$0x0] =	vst.idx.msk $0xffff, v4  }
0x103: {  	v4 =	vld.idx.msk [tilespmem:v6+s13+$0x0], $0xffff  }
0x104: {  	v5 =	vadd.s32 $0x260, v3  }
0x105: {  	v6 =	vor.u32 $0x4, v2;
	_ =	sdelay $0x3  }
0x106: {  	[tilespmem:v5+s15+$0x0] =	vst.idx.msk $0xffff, v4  }
0x107: {  	v4 =	vld.idx.msk [tilespmem:v6+s13+$0x0], $0xffff  }
0x108: {  	v5 =	vadd.s32 $0x280, v3  }
0x109: {  	v6 =	vor.u32 $0x5, v2;
	_ =	sdelay $0x3  }
0x10a: {  	[tilespmem:v5+s15+$0x0] =	vst.idx.msk $0xffff, v4  }
0x10b: {  	v4 =	vld.idx.msk [tilespmem:v6+s13+$0x0], $0xffff  }
0x10c: {  	v5 =	vadd.s32 $0x2A0, v3  }
0x10d: {  	v6 =	vor.u32 $0x6, v2;
	_ =	sdelay $0x3  }
0x10e: {  	[tilespmem:v5+s15+$0x0] =	vst.idx.msk $0xffff, v4  }
0x10f: {  	v4 =	vld.idx.msk [tilespmem:v6+s13+$0x0], $0xffff  }
0x110: {  	v5 =	vadd.s32 $0x2C0, v3  }
0x111: {  	v6 =	vor.u32 $0x7, v2;
	_ =	sdelay $0x3  }
0x112: {  	[tilespmem:v5+s15+$0x0] =	vst.idx.msk $0xffff, v4  }
0x113: {  	v4 =	vld.idx.msk [tilespmem:v6+s13+$0x0], $0xffff  }
0x114: {  	v5 =	vadd.s32 $0x2E0, v3  }
0x115: {  	v6 =	vor.u32 $0x8, v2;
	_ =	sdelay $0x3  }
0x116: {  	[tilespmem:v5+s15+$0x0] =	vst.idx.msk $0xffff, v4  }
0x117: {  	v4 =	vld.idx.msk [tilespmem:v6+s13+$0x0], $0xffff  }
0x118: {  	v5 =	vadd.s32 $0x300, v3  }
0x119: {  	v6 =	vor.u32 $0x9, v2;
	_ =	sdelay $0x3  }
0x11a: {  	[tilespmem:v5+s15+$0x0] =	vst.idx.msk $0xffff, v4  }
0x11b: {  	v4 =	vld.idx.msk [tilespmem:v6+s13+$0x0], $0xffff  }
0x11c: {  	v5 =	vadd.s32 $0x320, v3  }
0x11d: {  	v6 =	vor.u32 $0xA, v2;
	_ =	sdelay $0x3  }
0x11e: {  	[tilespmem:v5+s15+$0x0] =	vst.idx.msk $0xffff, v4  }
0x11f: {  	v4 =	vld.idx.msk [tilespmem:v6+s13+$0x0], $0xffff  }
0x120: {  	v5 =	vadd.s32 $0x340, v3  }
0x121: {  	v6 =	vor.u32 $0xB, v2;
	_ =	sdelay $0x3  }
0x122: {  	[tilespmem:v5+s15+$0x0] =	vst.idx.msk $0xffff, v4  }
0x123: {  	v4 =	vld.idx.msk [tilespmem:v6+s13+$0x0], $0xffff  }
0x124: {  	v5 =	vadd.s32 $0x360, v3  }
0x125: {  	v6 =	vor.u32 $0xC, v2;
	_ =	sdelay $0x3  }
0x126: {  	[tilespmem:v5+s15+$0x0] =	vst.idx.msk $0xffff, v4  }
0x127: {  	v4 =	vld.idx.msk [tilespmem:v6+s13+$0x0], $0xffff  }
0x128: {  	v5 =	vadd.s32 $0x380, v3  }
0x129: {  	v6 =	vor.u32 $0xD, v2;
	_ =	sdelay $0x3  }
0x12a: {  	[tilespmem:v5+s15+$0x0] =	vst.idx.msk $0xffff, v4  }
0x12b: {  	v4 =	vld.idx.msk [tilespmem:v6+s13+$0x0], $0xffff  }
0x12c: {  	v5 =	vadd.s32 $0x3A0, v3  }
0x12d: {  	v6 =	vor.u32 $0xE, v2;
	_ =	sdelay $0x3  }
0x12e: {  	[tilespmem:v5+s15+$0x0] =	vst.idx.msk $0xffff, v4  }
0x12f: {  	v4 =	vld.idx.msk [tilespmem:v6+s13+$0x0], $0xffff  }
0x130: {  	v5 =	vadd.s32 $0x3C0, v3  }
0x131: {  	v2 =	vor.u32 $0xF, v2;
	_ =	sdelay $0x1  }
.Ltmp3:
0x132: {  	(pc) =	sbr.rel @p0 .LBB2_9-.Ltmp3, $4  }
0x133: {  	_ = 	snop  }
0x134: {  	[tilespmem:v5+s15+$0x0] =	vst.idx.msk $0xffff, v4  }
0x135: {  	v2 =	vld.idx.msk [tilespmem:v2+s13+$0x0], $0xffff  }
0x136: {  	v3 =	vadd.s32 $0x3E0, v3  }
0x137: {  	_ =	sdelay $0x3  }
0x138: {  	s20 =	simm.s32 $0x0;
	[tilespmem:v3+s15+$0x0] =	vst.idx.msk $0xffff, v2  }
0x139: {  	s21 =	simm.s32 $0x40;
	v2 =	vld [tilespmem:s20+$0x500]  }
.LBB2_11:
0x13a: {  	p0 =	sne.s32 s21, $0x9C0  }
.Ltmp4:
0x13b: {  	_ = 	snop;
	(pc) =	sbr.rel @p0 .LBB2_11-.Ltmp4, $3  }
0x13c: {  	_ =	sdelay $0x1  }
0x13d: {  	s22 =	sshra.s32 s21, $0x2;
	s21 =	sadd.s32 $0x40, s21;
	v3 =	vshra.s32 v2, $0x3  }
0x13e: {  	v2 =	vld [tilespmem:s22+$0x500];
	[tilespmem:s20+$0xC80] =	vst v3;
	s20 =	smov.u32 s22  }
0x13f: {  	_ =	sdelay $0x3  }
0x140: {  	v2 =	vshra.s32 v2, $0x3  }
0x141: {  	[tilespmem:s20+$0xC80] =	vst v2  }
0x142: {  	[tilespmem:s13], [sflag:$0x1] =	stream.indirect.gather [hbm4b:s1+s9], $0x80, s12, s9, $0xb8;
	[tilespmem:$0x1C700] =	vst v63  }
0x143: {  	_ =	swait.ge [sflag:s14], $0x14000  }
0x144: {  	[sflag:s14] =	ssyncset.done $0x0  }
0x145: {  	s20 =	simm.s32 $0xA00;
	[sflag:s14] =	ssyncadd.s32 $0xFFFEC000  }
0x146: {  	v2 =	vld [tilespmem:s20+$0xFFFFFB00];
	_ =	sdelay $0x2  }
0x147: {  	s21 =	simm.s32 $0x0;
	v3 =	vld [tilespmem:s20+$0x0]  }
0x148: {  	v4 =	vmov s21;
	v5 =	vld [tilespmem:s20+$0xFFFFFD80]  }
0x149: {  	v4 =	vshll.u32 v4, $0x7;
	v2 =	vshll.u32 v2, $0x4  }
0x14a: {  	v4 =	vor.u32 v0, v4;
	v2 =	vand.u32 $0x70, v2  }
0x14b: {  	v2 =	vor.u32 v4, v2  }
0x14c: {  	v4 =	vsub.s32 v3, v1  }
0x14d: {  	v5 =	vshll.u32 v5, $0x5;
	v4 =	vand.u32 $0xFFFFFFF8, v4  }
0x14e: {  	v3 =	vand.u32 $0x7, v3;
	v4 =	vadd.s32 v5, v4  }
0x14f: {  	v3 =	vor.u32 v3, v4  }
0x150: {  	v5 =	vadd.s32 $0x400, v3;
	v4 =	vld.idx.msk [tilespmem:v2+s13+$0x0], $0xffff  }
0x151: {  	v6 =	vor.u32 $0x1, v2;
	_ =	sdelay $0x3  }
0x152: {  	[tilespmem:v5+s15+$0x0] =	vst.idx.msk $0xffff, v4  }
0x153: {  	v5 =	vadd.s32 $0x420, v3;
	v4 =	vld.idx.msk [tilespmem:v6+s13+$0x0], $0xffff  }
0x154: {  	v51 =	vor.u32 $0x2, v2;
	_ =	sdelay $0x3  }
0x155: {  	[tilespmem:v5+s15+$0x0] =	vst.idx.msk $0xffff, v4  }
0x156: {  	v5 =	vadd.s32 $0x440, v3;
	v4 =	vld.idx.msk [tilespmem:v51+s13+$0x0], $0xffff  }
0x157: {  	v52 =	vor.u32 $0x3, v2;
	_ =	sdelay $0x3  }
0x158: {  	[tilespmem:v5+s15+$0x0] =	vst.idx.msk $0xffff, v4  }
0x159: {  	v5 =	vadd.s32 $0x460, v3;
	v4 =	vld.idx.msk [tilespmem:v52+s13+$0x0], $0xffff  }
0x15a: {  	v53 =	vor.u32 $0x4, v2;
	_ =	sdelay $0x3  }
0x15b: {  	[tilespmem:v5+s15+$0x0] =	vst.idx.msk $0xffff, v4  }
0x15c: {  	v5 =	vadd.s32 $0x480, v3;
	v4 =	vld.idx.msk [tilespmem:v53+s13+$0x0], $0xffff  }
0x15d: {  	v54 =	vor.u32 $0x5, v2;
	_ =	sdelay $0x3  }
0x15e: {  	[tilespmem:v5+s15+$0x0] =	vst.idx.msk $0xffff, v4  }
0x15f: {  	v5 =	vadd.s32 $0x4A0, v3;
	v4 =	vld.idx.msk [tilespmem:v54+s13+$0x0], $0xffff  }
0x160: {  	v55 =	vor.u32 $0x6, v2;
	_ =	sdelay $0x3  }
0x161: {  	[tilespmem:v5+s15+$0x0] =	vst.idx.msk $0xffff, v4  }
0x162: {  	v5 =	vadd.s32 $0x4C0, v3;
	v4 =	vld.idx.msk [tilespmem:v55+s13+$0x0], $0xffff  }
0x163: {  	v56 =	vor.u32 $0x7, v2;
	_ =	sdelay $0x3  }
0x164: {  	[tilespmem:v5+s15+$0x0] =	vst.idx.msk $0xffff, v4  }
0x165: {  	v5 =	vadd.s32 $0x4E0, v3;
	v4 =	vld.idx.msk [tilespmem:v56+s13+$0x0], $0xffff  }
0x166: {  	v57 =	vor.u32 $0x8, v2;
	_ =	sdelay $0x3  }
0x167: {  	[tilespmem:v5+s15+$0x0] =	vst.idx.msk $0xffff, v4  }
0x168: {  	v5 =	vadd.s32 $0x500, v3;
	v4 =	vld.idx.msk [tilespmem:v57+s13+$0x0], $0xffff  }
0x169: {  	v58 =	vor.u32 $0x9, v2;
	_ =	sdelay $0x3  }
0x16a: {  	[tilespmem:v5+s15+$0x0] =	vst.idx.msk $0xffff, v4  }
0x16b: {  	v5 =	vadd.s32 $0x520, v3;
	v4 =	vld.idx.msk [tilespmem:v58+s13+$0x0], $0xffff  }
0x16c: {  	v59 =	vor.u32 $0xA, v2;
	_ =	sdelay $0x3  }
0x16d: {  	[tilespmem:v5+s15+$0x0] =	vst.idx.msk $0xffff, v4  }
0x16e: {  	v5 =	vadd.s32 $0x540, v3;
	v4 =	vld.idx.msk [tilespmem:v59+s13+$0x0], $0xffff  }
0x16f: {  	v60 =	vor.u32 $0xB, v2;
	_ =	sdelay $0x3  }
0x170: {  	[tilespmem:v5+s15+$0x0] =	vst.idx.msk $0xffff, v4  }
0x171: {  	v5 =	vadd.s32 $0x560, v3;
	v4 =	vld.idx.msk [tilespmem:v60+s13+$0x0], $0xffff  }
0x172: {  	v61 =	vor.u32 $0xC, v2;
	_ =	sdelay $0x3  }
0x173: {  	[tilespmem:v5+s15+$0x0] =	vst.idx.msk $0xffff, v4  }
0x174: {  	v5 =	vadd.s32 $0x580, v3;
	v4 =	vld.idx.msk [tilespmem:v61+s13+$0x0], $0xffff  }
0x175: {  	v62 =	vor.u32 $0xD, v2;
	_ =	sdelay $0x3  }
0x176: {  	[tilespmem:v5+s15+$0x0] =	vst.idx.msk $0xffff, v4  }
0x177: {  	v5 =	vadd.s32 $0x5A0, v3;
	v4 =	vld.idx.msk [tilespmem:v62+s13+$0x0], $0xffff  }
0x178: {  	v63 =	vor.u32 $0xE, v2;
	_ =	sdelay $0x3  }
0x179: {  	[tilespmem:v5+s15+$0x0] =	vst.idx.msk $0xffff, v4  }
0x17a: {  	v5 =	vadd.s32 $0x5C0, v3;
	v4 =	vld.idx.msk [tilespmem:v63+s13+$0x0], $0xffff  }
0x17b: {  	v2 =	vor.u32 $0xF, v2;
	_ =	sdelay $0x3  }
0x17c: {  	[tilespmem:v5+s15+$0x0] =	vst.idx.msk $0xffff, v4  }
0x17d: {  	s21 =	simm.s32 $0x10;
	v3 =	vadd.s32 $0x5E0, v3;
	v2 =	vld.idx.msk [tilespmem:v2+s13+$0x0], $0xffff  }
.LBB2_13:
0x17e: {  	_ =	sdelay $0x2  }
0x17f: {  	p0 =	sne.s32 s21, $0x270  }
0x180: {  	s20 =	sadd.s32 $0x10, s20;
	s22 =	smov.u32 s21;
	s21 =	sadd.s32 $0x10, s21;
	[tilespmem:v3+s15+$0x0] =	vst.idx.msk $0xffff, v2  }
0x181: {  	v2 =	vld [tilespmem:s20+$0xFFFFFB00];
	_ =	sdelay $0x3  }
0x182: {  	v3 =	vmov s22;
	v4 =	vld [tilespmem:s20+$0x0]  }
0x183: {  	v3 =	vshll.u32 v3, $0x7;
	v2 =	vshll.u32 v2, $0x4;
	v5 =	vld [tilespmem:s20+$0xFFFFFD80]  }
0x184: {  	v3 =	vor.u32 v0, v3;
	v2 =	vand.u32 $0x70, v2  }
0x185: {  	v2 =	vor.u32 v3, v2;
	_ =	sdelay $0x1  }
0x186: {  	v3 =	vsub.s32 v4, v1  }
0x187: {  	v3 =	vand.u32 $0xFFFFFFF8, v3;
	v5 =	vshll.u32 v5, $0x5  }
0x188: {  	v4 =	vand.u32 $0x7, v4;
	v3 =	vadd.s32 v5, v3  }
0x189: {  	v5 =	vld.idx.msk [tilespmem:v2+s13+$0x0], $0xffff;
	v3 =	vor.u32 v4, v3  }
0x18a: {  	v4 =	vadd.s32 $0x400, v3  }
0x18b: {  	v6 =	vor.u32 $0x1, v2;
	_ =	sdelay $0x3  }
0x18c: {  	[tilespmem:v4+s15+$0x0] =	vst.idx.msk $0xffff, v5  }
0x18d: {  	v4 =	vld.idx.msk [tilespmem:v6+s13+$0x0], $0xffff  }
0x18e: {  	v5 =	vadd.s32 $0x420, v3  }
0x18f: {  	v6 =	vor.u32 $0x2, v2;
	_ =	sdelay $0x3  }
0x190: {  	[tilespmem:v5+s15+$0x0] =	vst.idx.msk $0xffff, v4  }
0x191: {  	v4 =	vld.idx.msk [tilespmem:v6+s13+$0x0], $0xffff  }
0x192: {  	v5 =	vadd.s32 $0x440, v3  }
0x193: {  	v6 =	vor.u32 $0x3, v2;
	_ =	sdelay $0x3  }
0x194: {  	[tilespmem:v5+s15+$0x0] =	vst.idx.msk $0xffff, v4  }
0x195: {  	v4 =	vld.idx.msk [tilespmem:v6+s13+$0x0], $0xffff  }
0x196: {  	v5 =	vadd.s32 $0x460, v3  }
0x197: {  	v6 =	vor.u32 $0x4, v2;
	_ =	sdelay $0x3  }
0x198: {  	[tilespmem:v5+s15+$0x0] =	vst.idx.msk $0xffff, v4  }
0x199: {  	v4 =	vld.idx.msk [tilespmem:v6+s13+$0x0], $0xffff  }
0x19a: {  	v5 =	vadd.s32 $0x480, v3  }
0x19b: {  	v6 =	vor.u32 $0x5, v2;
	_ =	sdelay $0x3  }
0x19c: {  	[tilespmem:v5+s15+$0x0] =	vst.idx.msk $0xffff, v4  }
0x19d: {  	v4 =	vld.idx.msk [tilespmem:v6+s13+$0x0], $0xffff  }
0x19e: {  	v5 =	vadd.s32 $0x4A0, v3  }
0x19f: {  	v6 =	vor.u32 $0x6, v2;
	_ =	sdelay $0x3  }
0x1a0: {  	[tilespmem:v5+s15+$0x0] =	vst.idx.msk $0xffff, v4  }
0x1a1: {  	v4 =	vld.idx.msk [tilespmem:v6+s13+$0x0], $0xffff  }
0x1a2: {  	v5 =	vadd.s32 $0x4C0, v3  }
0x1a3: {  	v6 =	vor.u32 $0x7, v2;
	_ =	sdelay $0x3  }
0x1a4: {  	[tilespmem:v5+s15+$0x0] =	vst.idx.msk $0xffff, v4  }
0x1a5: {  	v4 =	vld.idx.msk [tilespmem:v6+s13+$0x0], $0xffff  }
0x1a6: {  	v5 =	vadd.s32 $0x4E0, v3  }
0x1a7: {  	v6 =	vor.u32 $0x8, v2;
	_ =	sdelay $0x3  }
0x1a8: {  	[tilespmem:v5+s15+$0x0] =	vst.idx.msk $0xffff, v4  }
0x1a9: {  	v4 =	vld.idx.msk [tilespmem:v6+s13+$0x0], $0xffff  }
0x1aa: {  	v5 =	vadd.s32 $0x500, v3  }
0x1ab: {  	v6 =	vor.u32 $0x9, v2;
	_ =	sdelay $0x3  }
0x1ac: {  	[tilespmem:v5+s15+$0x0] =	vst.idx.msk $0xffff, v4  }
0x1ad: {  	v4 =	vld.idx.msk [tilespmem:v6+s13+$0x0], $0xffff  }
0x1ae: {  	v5 =	vadd.s32 $0x520, v3  }
0x1af: {  	v6 =	vor.u32 $0xA, v2;
	_ =	sdelay $0x3  }
0x1b0: {  	[tilespmem:v5+s15+$0x0] =	vst.idx.msk $0xffff, v4  }
0x1b1: {  	v4 =	vld.idx.msk [tilespmem:v6+s13+$0x0], $0xffff  }
0x1b2: {  	v5 =	vadd.s32 $0x540, v3  }
0x1b3: {  	v6 =	vor.u32 $0xB, v2;
	_ =	sdelay $0x3  }
0x1b4: {  	[tilespmem:v5+s15+$0x0] =	vst.idx.msk $0xffff, v4  }
0x1b5: {  	v4 =	vld.idx.msk [tilespmem:v6+s13+$0x0], $0xffff  }
0x1b6: {  	v5 =	vadd.s32 $0x560, v3  }
0x1b7: {  	v6 =	vor.u32 $0xC, v2;
	_ =	sdelay $0x3  }
0x1b8: {  	[tilespmem:v5+s15+$0x0] =	vst.idx.msk $0xffff, v4  }
0x1b9: {  	v4 =	vld.idx.msk [tilespmem:v6+s13+$0x0], $0xffff  }
0x1ba: {  	v5 =	vadd.s32 $0x580, v3  }
0x1bb: {  	v6 =	vor.u32 $0xD, v2;
	_ =	sdelay $0x3  }
0x1bc: {  	[tilespmem:v5+s15+$0x0] =	vst.idx.msk $0xffff, v4  }
0x1bd: {  	v4 =	vld.idx.msk [tilespmem:v6+s13+$0x0], $0xffff  }
0x1be: {  	v5 =	vadd.s32 $0x5A0, v3  }
0x1bf: {  	v6 =	vor.u32 $0xE, v2;
	_ =	sdelay $0x3  }
0x1c0: {  	[tilespmem:v5+s15+$0x0] =	vst.idx.msk $0xffff, v4  }
0x1c1: {  	v4 =	vld.idx.msk [tilespmem:v6+s13+$0x0], $0xffff  }
0x1c2: {  	v5 =	vadd.s32 $0x5C0, v3  }
0x1c3: {  	v2 =	vor.u32 $0xF, v2;
	_ =	sdelay $0x1  }
.Ltmp5:
0x1c4: {  	(pc) =	sbr.rel @p0 .LBB2_13-.Ltmp5, $4  }
0x1c5: {  	_ = 	snop  }
0x1c6: {  	[tilespmem:v5+s15+$0x0] =	vst.idx.msk $0xffff, v4  }
0x1c7: {  	v2 =	vld.idx.msk [tilespmem:v2+s13+$0x0], $0xffff  }
0x1c8: {  	v3 =	vadd.s32 $0x5E0, v3  }
0x1c9: {  	_ =	sdelay $0x1  }
0x1ca: {  	s18 =	sadd.s32 $0x1, s18  }
0x1cb: {  	s19 =	sshrl.u32 s19, $0x3;
	p0 =	sne.s32 s18, $0x4  }
.Ltmp6:
0x1cc: {  	s19 =	sadd.s32 s6, s19;
	[tilespmem:v3+s15+$0x0] =	vst.idx.msk $0xffff, v2;
	(pc) =	sbr.rel @p0 .LBB2_2-.Ltmp6, $4  }
0x1cd: {  	[hbm4b:s19+s16] =	stream.strided.scatter [tilespmem:s15], [sflag:$0x2], $0x7800, s17, s16, $0x38;
	[tilespmem:$0x1C700] =	vst v63  }
0x1ce: {  	_ =	swait.ge [sflag:s11], $0x7800  }
0x1cf: {  	[sflag:s11] =	ssyncset.done $0x0  }
0x1d0: {  	[sflag:s11] =	ssyncadd.s32 $0xFFFF8800  }
0x1d1: {  	s2 =	sadd.s32 $0x1, s2  }
0x1d2: {  	p0 =	sne.s32 s2, s8  }
.Ltmp7:
0x1d3: {  	_ = 	snop;
	(pc) =	sbr.rel @p0 .LBB2_1-.Ltmp7, $1  }
0x1d4: {  	_ =	sdelay $0x3  }
0x1d5: {  	_ =	sfence.sel $0x180000  }
0x1d6: {  	[bflag:$0x0] =	sbarrier.arrive $0xFFFF  }
0x1d7: {  	p0 =	sne.s32 s3, $0x0;
	_ =	strace $0x9000004A  }
0x1d8: {  	s0 =	sadd.s32 @!p0 $0x100000, s0;
	[bflag:$0x2] =	sbarrier.arrive $0xFFFF  }
0x1d9: {  	[sflag:s0] =	ssyncadd.tile.s32 @!p0 $0x1;
	_ =	shalt  }
.Lfunc_end2:
_tile_overlayer_lowered:
.L_overlay_start_2:
0x1da: {  	(tag) =	ssettag $0x2  }
0x1db: {  	s0 =	rddreg [dreg:$0x0];
	s2 =	stileid.u32  }
0x1dc: {  	s1 =	rddreg [dreg:$0x1];
	p0 =	sne.s32 s2, $0x0  }
0x1dd: {  	s3 =	rddreg [dreg:$0x2];
	[bflag:$0x3] =	sbarrier.arrive $0xFFFF;
	s2 =	simm.s32 @!p0 $0x1C02  }
0x1de: {  	[timem:s3], [sflag:s2] =	dma.local @!p0 [hbm:s0], s1  }
0x1df: {  	s0 =	simm.s32 @!p0 $0x2  }
0x1e0: {  	_ =	swait.ge @!p0 [sflag:s0], s1  }
0x1e1: {  	s1 =	ssub.s32 @!p0 $0x0, s1;
	[sflag:s0] =	ssyncset.done @!p0 $0x0  }
0x1e2: {  	[sflag:s0] =	ssyncadd.s32 @!p0 s1  }
0x1e3: {  	[bflag:$0x3] =	sbarrier.arrive $0xFFFF  }
0x1e4: {  	_ =	shalt  }

</sc_bundles>
